<compile_context>
chip_gen: v7x
topology: tpu7x:2x2x1
jax: 0.10.2.dev20260603
libtpu: 0.0.44.dev20260713+nightly
codegen_flags: <defaults>
</compile_context>

<pallas_src>
import functools

import jax
import jax.numpy as jnp
from jax import lax
from jax.experimental import pallas as pl
from jax.experimental.pallas import tpu as pltpu
from jax.experimental.pallas import tpu_sc as plsc

IN_FEATURES = 1024
N_CLASSES = 100000
C1 = 2000
C2 = 10000
N_TOKENS = 1024
BLK = 2048
LANES = 128
SUB = 512
NSUB = BLK // SUB
NBLK = (N_CLASSES + BLK - 1) // BLK
B_S1 = C1 // BLK
B_S2 = C2 // BLK
NEG = -1e30
LOG2E = 1.4426950408889634
LN2 = 0.6931471805599453


_SC_INFO = plsc.get_sparse_core_info()
_NC = _SC_INFO.num_cores
_NS = _SC_INFO.num_subcores
_NW = _NC * _NS
_BPW = N_TOKENS // _NW


def _sc_gather_rows(table_hbm, idx_hbm, out_hbm, idx_v, rows_v, sem):
    wid = lax.axis_index("s") * _NC + lax.axis_index("c")
    base = wid * _BPW
    pltpu.sync_copy(idx_hbm.at[pl.ds(base, _BPW)], idx_v)
    pltpu.async_copy(table_hbm.at[idx_v], rows_v, sem).wait()
    pltpu.sync_copy(rows_v, out_hbm.at[pl.ds(base, _BPW)])


def _gather_target_rows(weight, tgt_i32):
    mesh = plsc.VectorSubcoreMesh(core_axis_name="c", subcore_axis_name="s")
    k = functools.partial(
        pl.kernel,
        mesh=mesh,
        out_type=jax.ShapeDtypeStruct((N_TOKENS, IN_FEATURES), jnp.float32),
        scratch_types=[
            pltpu.VMEM((_BPW,), jnp.int32),
            pltpu.VMEM((_BPW, IN_FEATURES), jnp.float32),
            pltpu.SemaphoreType.DMA,
        ],
    )(_sc_gather_rows)
    return k(weight, tgt_i32)




def _flash_kernel(x_ref, w_ref, b_ref, g_ref, bp_ref, tgt_ref, tv_ref,
                  tb_ref, out_ref, loss_ref, s0, s1, s2):
    blk = pl.program_id(0)

    @pl.when(blk == 0)
    def _init():
        for r in (s0, s1, s2):
            r[...] = jnp.zeros((N_TOKENS, LANES), jnp.float32)

    def dot_sub(i):
        sub = jax.lax.dot_general(
            x_ref[...], w_ref[i * SUB:(i + 1) * SUB, :].astype(jnp.bfloat16),
            (((1,), (1,)), ((), ())),
            preferred_element_type=jnp.float32)
        return sub + b_ref[0][:, i * SUB:(i + 1) * SUB]

    def block_body(s_ref, mask_fn):
        so = s_ref[...]
        sub = dot_sub(0)
        for i in range(NSUB):
            nxt = dot_sub(i + 1) if i + 1 < NSUB else None
            if mask_fn is not None:
                cls = (blk * BLK + i * SUB
                       + jax.lax.broadcasted_iota(jnp.int32, (1, SUB), 1))
                sub = jnp.where(mask_fn(cls), sub, NEG)
            for k in range(SUB // LANES):
                so = so + jnp.exp2(sub[:, k * LANES:(k + 1) * LANES])
            sub = nxt
        s_ref[...] = so

    @pl.when(blk < B_S1)
    def _pure0():
        block_body(s0, None)

    @pl.when(blk == B_S1)
    def _straddle01():
        block_body(s0, lambda c: c < C1)
        block_body(s1, lambda c: c >= C1)

    @pl.when((blk > B_S1) & (blk < B_S2))
    def _pure1():
        block_body(s1, None)

    @pl.when(blk == B_S2)
    def _straddle12():
        block_body(s1, lambda c: c < C2)
        block_body(s2, lambda c: c >= C2)

    @pl.when((blk > B_S2) & (blk < NBLK - 1))
    def _pure2():
        block_body(s2, None)

    @pl.when(blk == NBLK - 1)
    def _edge():
        block_body(s2, lambda c: c < N_CLASSES)

    @pl.when(blk == NBLK - 1)
    def _fini():
        prod = x_ref[...].astype(jnp.float32) * g_ref[...]
        p2 = jnp.sum(prod, axis=1, keepdims=True) + bp_ref[...]

        tl2 = jax.lax.dot_general(
            x_ref[...], tv_ref[...].astype(jnp.bfloat16),
            (((1,), (1,)), ((), ())),
            preferred_element_type=jnp.float32) + tb_ref[...]

        st0 = (jnp.sum(s0[...], axis=1, keepdims=True)
               + jnp.sum(jnp.exp2(tl2), axis=1, keepdims=True))
        lse0 = jnp.log(st0)
        lse1 = jnp.log(jnp.sum(s1[...], axis=1, keepdims=True))
        lse2 = jnp.log(jnp.sum(s2[...], axis=1, keepdims=True))

        p = LN2 * p2
        t = tgt_ref[...]
        is0 = t < C1
        is1 = (t >= C1) & (t < C2)
        head_pick = jnp.where(is0, p, LN2 * jnp.where(is1, tl2[:, 0:1],
                                                      tl2[:, 1:2]))
        tail_part = jnp.where(is0, 0.0, p - jnp.where(is1, lse1, lse2))
        out = head_pick - lse0 + tail_part
        out_ref[...] = out
        loss_ref[...] = jnp.zeros((1, 1), jnp.float32) - jnp.mean(out)


def kernel(x, target, weight, bias, tail_vectors, tail_bias):
    xb = (x * LOG2E).astype(jnp.bfloat16)
    bias_p = jnp.pad(bias * LOG2E,
                     (0, NBLK * BLK - N_CLASSES)).reshape(NBLK, 1, BLK)
    tgt_i32 = target.astype(jnp.int32)
    tgt2 = tgt_i32.reshape(N_TOKENS, 1)
    tb2 = (tail_bias * LOG2E).reshape(1, 2)
    bp = (jnp.take(bias, tgt_i32) * LOG2E).reshape(N_TOKENS, 1)

    g = _gather_target_rows(weight, tgt_i32)

    out, loss = pl.pallas_call(
        _flash_kernel,
        grid=(NBLK,),
        in_specs=[
            pl.BlockSpec((N_TOKENS, IN_FEATURES), lambda b: (0, 0)),
            pl.BlockSpec((BLK, IN_FEATURES), lambda b: (b, 0)),
            pl.BlockSpec((1, 1, BLK), lambda b: (b, 0, 0)),
            pl.BlockSpec((N_TOKENS, IN_FEATURES), lambda b: (0, 0)),
            pl.BlockSpec((N_TOKENS, 1), lambda b: (0, 0)),
            pl.BlockSpec((N_TOKENS, 1), lambda b: (0, 0)),
            pl.BlockSpec((2, IN_FEATURES), lambda b: (0, 0)),
            pl.BlockSpec((1, 2), lambda b: (0, 0)),
        ],
        out_specs=[
            pl.BlockSpec((N_TOKENS, 1), lambda b: (0, 0)),
            pl.BlockSpec((1, 1), lambda b: (0, 0)),
        ],
        out_shape=[
            jax.ShapeDtypeStruct((N_TOKENS, 1), jnp.float32),
            jax.ShapeDtypeStruct((1, 1), jnp.float32),
        ],
        scratch_shapes=[
            pltpu.VMEM((N_TOKENS, LANES), jnp.float32),
            pltpu.VMEM((N_TOKENS, LANES), jnp.float32),
            pltpu.VMEM((N_TOKENS, LANES), jnp.float32),
        ],
        compiler_params=pltpu.CompilerParams(
            dimension_semantics=("arbitrary",)),
    )(xb, weight, bias_p, g, bp, tgt2, tail_vectors, tb2)
    return out.reshape(N_TOKENS), loss[0, 0]

# --- scband reference (transcript-rebuilt; emitter-appended) ---
"""Pipeline reference for scband-split-softmax-with-loss-12695923327404 (READ-ONLY COPY).

The authoritative reference and input builder live on the scoring server;
editing this copy changes nothing except your own understanding.
"""

import jax, jax.numpy as jnp
import numpy as np

IN_FEATURES = 1024
N_CLASSES = 100000
CUTOFFS = [2000, 10000, 100000]  # self.cutoffs = cutoffs + [n_classes]
SHORTLIST = 2000
N_CLUSTERS = 3
N_TOKENS = 1024


def setup_inputs(seed: int = 0) -> dict:
    key = jax.random.key(seed)
    k1, k2, k3 = jax.random.split(key, 3)
    x = jax.random.normal(k1, (N_TOKENS, IN_FEATURES), dtype=jnp.float32)
    target = jax.random.randint(k2, (N_TOKENS,), 0, N_CLASSES, dtype=jnp.int64 if jax.config.jax_enable_x64 else jnp.int32)
    # kaiming_uniform_(a=sqrt(5)) -> bound = sqrt(6/((1+a^2)*fan_in)) = 1/sqrt(fan_in)
    bound = 1.0 / np.sqrt(IN_FEATURES)
    weight = jax.random.uniform(k3, (N_CLASSES, IN_FEATURES), minval=-bound, maxval=bound, dtype=jnp.float32)
    bias = jnp.zeros((N_CLASSES,), dtype=jnp.float32)
    tail_vectors = jnp.zeros((N_CLUSTERS - 1, IN_FEATURES), dtype=jnp.float32)
    tail_bias = jnp.zeros((N_CLUSTERS - 1,), dtype=jnp.float32)
    return {"x": x, "target": target, "weight": weight, "bias": bias,
            "tail_vectors": tail_vectors, "tail_bias": tail_bias}


def reference(x, target, weight, bias, tail_vectors, tail_bias):
    cutoff_values = [0] + CUTOFFS
    # head = shortlist weights + one cluster-logit vector per tail cluster
    head_weight = jnp.concatenate([weight[:SHORTLIST], tail_vectors], axis=0)
    head_bias = jnp.concatenate([bias[:SHORTLIST], tail_bias], axis=0)
    head_output = x @ head_weight.T + head_bias
    head_logprob = jax.nn.log_softmax(head_output, axis=1)

    n = x.shape[0]
    output = jnp.zeros((n,), dtype=x.dtype)
    # cluster 0: gather index is the target itself
    gather_inds = jnp.where(target < SHORTLIST, target, 0)

    for i in range(1, len(cutoff_values) - 1):
        low = cutoff_values[i]
        high = cutoff_values[i + 1]
        mask = (target >= low) & (target < high)
        rel = jnp.clip(target - low, 0, high - low - 1)
        cluster_output = x @ weight[low:high].T + bias[low:high]
        cluster_logprob = jax.nn.log_softmax(cluster_output, axis=1)
        local = jnp.take_along_axis(cluster_logprob, rel[:, None], axis=1)[:, 0]
        output = jnp.where(mask, local, output)
        gather_inds = jnp.where(mask, SHORTLIST + i - 1, gather_inds)

    output = output + jnp.take_along_axis(head_logprob, gather_inds[:, None], axis=1)[:, 0]
    loss = jnp.mean(-output)
    return output, loss

if __name__ == "__main__":
    import jax
    _d = setup_inputs()
    print(jax.jit(kernel)(*tuple(_d.values())))

</pallas_src>

<mosaic_0001>
#map = affine_map<(d0, d1) -> (0, 0)>
#map1 = affine_map<(d0, d1) -> (0)>
module attributes {stable_mosaic.version = 14 : i64} {
  func.func @_sc_gather_rows(%arg0: i32, %arg1: i32, %arg2: memref<100000x1024xf32, #tpu.memory_space<hbm>>, %arg3: memref<1024xi32, #tpu.memory_space<hbm>>, %arg4: memref<1024x1024xf32, #tpu.memory_space<hbm>>, %arg5: memref<32xi32, #tpu.memory_space<vmem>>, %arg6: memref<32x1024xf32, #tpu.memory_space<vmem>>, %arg7: memref<!tpu.dma_semaphore, #tpu.memory_space<semaphore_mem>>) attributes {dimension_semantics = [#tpu.dimension_semantics<core_parallel>, #tpu.dimension_semantics<subcore_parallel>], iteration_bounds = array<i64: 2, 16>, scalar_prefetch = 0 : i64, scratch_operands = 3 : i64, tpu.core_type = #tpu.core_type<sc_vector_subcore>, window_params = [{transform_indices = #map}, {transform_indices = #map1}, {transform_indices = #map}]} {
    %mul3A = arith.constant 2 : i32
    %mul3A_0 = arith.muli %arg1, %mul3A : i32
    %add3A = arith.addi %mul3A_0, %arg0 : i32
    %mul3A_1 = arith.constant 32 : i32
    %mul3A_2 = arith.muli %add3A, %mul3A_1 : i32
    "tpu.region"() ({
      %run_scoped3A = tpu.sem_alloc : memref<!tpu.dma_semaphore, #tpu.memory_space<semaphore_mem>>
      %dma_start3A_7 = tpu.memref_slice %arg3[%mul3A_2] : memref<1024xi32, #tpu.memory_space<hbm>> -> memref<32xi32, #tpu.memory_space<hbm>>
      %dma_start3A_8 = tpu.memref_slice %arg3[%mul3A_2] : memref<1024xi32, #tpu.memory_space<hbm>> -> memref<32xi32, #tpu.memory_space<hbm>>
      tpu.enqueue_dma source(%dma_start3A_8 : memref<32xi32, #tpu.memory_space<hbm>>) target(%arg5 : memref<32xi32, #tpu.memory_space<vmem>>) target_semaphore(%run_scoped3A : memref<!tpu.dma_semaphore, #tpu.memory_space<semaphore_mem>>)
      %dma_wait3A_9 = tpu.memref_slice %arg3[%mul3A_2] : memref<1024xi32, #tpu.memory_space<hbm>> -> memref<32xi32, #tpu.memory_space<hbm>>
      %dma_wait3A_10 = tpu.memref_slice %arg3[%mul3A_2] : memref<1024xi32, #tpu.memory_space<hbm>> -> memref<32xi32, #tpu.memory_space<hbm>>
      tpu.wait_dma2 semaphore(%run_scoped3A : memref<!tpu.dma_semaphore, #tpu.memory_space<semaphore_mem>>) src(%dma_wait3A_10 : memref<32xi32, #tpu.memory_space<hbm>>) dst(%arg5 : memref<32xi32, #tpu.memory_space<vmem>>)
      tpu.yield
    }) : () -> ()
    %dma_start3A = arith.constant 0 : i32
    %dma_start3A_3 = arith.constant 0 : i32
    %dma_start3A_4 = tpu.memref_slice %arg2[%dma_start3A, %dma_start3A_3] : memref<100000x1024xf32, #tpu.memory_space<hbm>> -> memref<100000x1024xf32, #tpu.memory_space<hbm>>
    tpu.enqueue_indirect_dma source(%dma_start3A_4 : memref<100000x1024xf32, #tpu.memory_space<hbm>>) target(%arg6 : memref<32x1024xf32, #tpu.memory_space<vmem>>) offsets(%arg5 : memref<32xi32, #tpu.memory_space<vmem>>) semaphore(%arg7 : memref<!tpu.dma_semaphore, #tpu.memory_space<semaphore_mem>>)
    %dma_wait3A = arith.constant 0 : i32
    %dma_wait3A_5 = arith.constant 0 : i32
    %dma_wait3A_6 = tpu.memref_slice %arg2[%dma_wait3A, %dma_wait3A_5] : memref<100000x1024xf32, #tpu.memory_space<hbm>> -> memref<100000x1024xf32, #tpu.memory_space<hbm>>
    tpu.wait_indirect_dma semaphore(%arg7 : memref<!tpu.dma_semaphore, #tpu.memory_space<semaphore_mem>>) src(%dma_wait3A_6 : memref<100000x1024xf32, #tpu.memory_space<hbm>>) dst(%arg6 : memref<32x1024xf32, #tpu.memory_space<vmem>>)
    "tpu.region"() ({
      %run_scoped3A = tpu.sem_alloc : memref<!tpu.dma_semaphore, #tpu.memory_space<semaphore_mem>>
      %dma_start3A_7 = arith.constant 0 : i32
      %dma_start3A_8 = tpu.memref_slice %arg4[%mul3A_2, %dma_start3A_7] : memref<1024x1024xf32, #tpu.memory_space<hbm>> -> memref<32x1024xf32, #tpu.memory_space<hbm>>
      %dma_start3A_9 = arith.constant 0 : i32
      %dma_start3A_10 = tpu.memref_slice %arg4[%mul3A_2, %dma_start3A_9] : memref<1024x1024xf32, #tpu.memory_space<hbm>> -> memref<32x1024xf32, #tpu.memory_space<hbm>>
      tpu.enqueue_dma source(%arg6 : memref<32x1024xf32, #tpu.memory_space<vmem>>) target(%dma_start3A_10 : memref<32x1024xf32, #tpu.memory_space<hbm>>) target_semaphore(%run_scoped3A : memref<!tpu.dma_semaphore, #tpu.memory_space<semaphore_mem>>)
      %dma_wait3A_11 = arith.constant 0 : i32
      %dma_wait3A_12 = tpu.memref_slice %arg4[%mul3A_2, %dma_wait3A_11] : memref<1024x1024xf32, #tpu.memory_space<hbm>> -> memref<32x1024xf32, #tpu.memory_space<hbm>>
      %dma_wait3A_13 = arith.constant 0 : i32
      %dma_wait3A_14 = tpu.memref_slice %arg4[%mul3A_2, %dma_wait3A_13] : memref<1024x1024xf32, #tpu.memory_space<hbm>> -> memref<32x1024xf32, #tpu.memory_space<hbm>>
      tpu.wait_dma2 semaphore(%run_scoped3A : memref<!tpu.dma_semaphore, #tpu.memory_space<semaphore_mem>>) src(%arg6 : memref<32x1024xf32, #tpu.memory_space<vmem>>) dst(%dma_wait3A_14 : memref<32x1024xf32, #tpu.memory_space<hbm>>)
      tpu.yield
    }) : () -> ()
    return
  }
}

module attributes {stable_mosaic.version = 14 : i64} {
  func.func @_flash_kernel(%arg0: i32, %arg1: memref<1024x1024xbf16, #tpu.memory_space<vmem>>, %arg2: memref<2048x1024xf32, #tpu.memory_space<vmem>>, %arg3: memref<1x1x2048xf32, #tpu.memory_space<vmem>>, %arg4: memref<1024x1024xf32, #tpu.memory_space<vmem>>, %arg5: memref<1024x1xf32, #tpu.memory_space<vmem>>, %arg6: memref<1024x1xi32, #tpu.memory_space<vmem>>, %arg7: memref<2x1024xf32, #tpu.memory_space<vmem>>, %arg8: memref<1x2xf32, #tpu.memory_space<vmem>>, %arg9: memref<1024x1xf32, #tpu.memory_space<vmem>>, %arg10: memref<1x1xf32, #tpu.memory_space<vmem>>, %arg11: memref<1024x128xf32, #tpu.memory_space<vmem>>, %arg12: memref<1024x128xf32, #tpu.memory_space<vmem>>, %arg13: memref<1024x128xf32, #tpu.memory_space<vmem>>) attributes {dimension_semantics = [#tpu.dimension_semantics<arbitrary>], iteration_bounds = array<i64: 49>, scalar_prefetch = 0 : i64, scratch_operands = 3 : i64, tpu.core_type = #tpu.core_type<tc>, window_params = [{pipeline_mode = #tpu.pipeline_mode<synchronous>, transform_indices = @transform_0, window_bounds = array<i64: 1024, 1024>}, {transform_indices = @transform_1, window_bounds = array<i64: 2048, 1024>}, {transform_indices = @transform_2, window_bounds = array<i64: 1, 1, 2048>}, {pipeline_mode = #tpu.pipeline_mode<synchronous>, transform_indices = @transform_3, window_bounds = array<i64: 1024, 1024>}, {pipeline_mode = #tpu.pipeline_mode<synchronous>, transform_indices = @transform_4, window_bounds = array<i64: 1024, 1>}, {pipeline_mode = #tpu.pipeline_mode<synchronous>, transform_indices = @transform_5, window_bounds = array<i64: 1024, 1>}, {pipeline_mode = #tpu.pipeline_mode<synchronous>, transform_indices = @transform_6, window_bounds = array<i64: 2, 1024>}, {pipeline_mode = #tpu.pipeline_mode<synchronous>, transform_indices = @transform_7, window_bounds = array<i64: 1, 2>}, {pipeline_mode = #tpu.pipeline_mode<synchronous>, transform_indices = @transform_8, window_bounds = array<i64: 1024, 1>}, {pipeline_mode = #tpu.pipeline_mode<synchronous>, transform_indices = @transform_9, window_bounds = array<i64: 1, 1>}]} {
    %eq3A = arith.constant 0 : i32
    %eq3A_0 = arith.cmpi eq, %arg0, %eq3A : i32
    %convert_element_type3A = arith.extui %eq3A_0 : i1 to i32
    %cond3A = arith.constant 0 : i32
    %cond3A_1 = arith.cmpi ne, %convert_element_type3A, %cond3A : i32
    scf.if %cond3A_1 {
      %broadcast_in_dim3A = arith.constant 0.000000e+00 : f32
      %broadcast_in_dim3A_40 = vector.broadcast %broadcast_in_dim3A : f32 to vector<1024x128xf32>
      %swap3A = arith.constant 0 : index
      %swap3A_41 = arith.constant 0 : index
      %swap3A_42 = vector.load %arg11[%swap3A, %swap3A_41] : memref<1024x128xf32, #tpu.memory_space<vmem>>, vector<1024x128xf32>
      tpu.vector_store %arg11[%swap3A, %swap3A_41], %broadcast_in_dim3A_40 {strides = array<i32>} : memref<1024x128xf32, #tpu.memory_space<vmem>>, vector<1024x128xf32>,
      %broadcast_in_dim3A_43 = arith.constant 0.000000e+00 : f32
      %broadcast_in_dim3A_44 = vector.broadcast %broadcast_in_dim3A_43 : f32 to vector<1024x128xf32>
      %swap3A_45 = arith.constant 0 : index
      %swap3A_46 = arith.constant 0 : index
      %swap3A_47 = vector.load %arg12[%swap3A_45, %swap3A_46] : memref<1024x128xf32, #tpu.memory_space<vmem>>, vector<1024x128xf32>
      tpu.vector_store %arg12[%swap3A_45, %swap3A_46], %broadcast_in_dim3A_44 {strides = array<i32>} : memref<1024x128xf32, #tpu.memory_space<vmem>>, vector<1024x128xf32>,
      %broadcast_in_dim3A_48 = arith.constant 0.000000e+00 : f32
      %broadcast_in_dim3A_49 = vector.broadcast %broadcast_in_dim3A_48 : f32 to vector<1024x128xf32>
      %swap3A_50 = arith.constant 0 : index
      %swap3A_51 = arith.constant 0 : index
      %swap3A_52 = vector.load %arg13[%swap3A_50, %swap3A_51] : memref<1024x128xf32, #tpu.memory_space<vmem>>, vector<1024x128xf32>
      tpu.vector_store %arg13[%swap3A_50, %swap3A_51], %broadcast_in_dim3A_49 {strides = array<i32>} : memref<1024x128xf32, #tpu.memory_space<vmem>>, vector<1024x128xf32>,
    } else {
    }
    %lt3A = arith.constant 0 : i32
    %lt3A_2 = arith.cmpi slt, %arg0, %lt3A : i32
    %convert_element_type3A_3 = arith.extui %lt3A_2 : i1 to i32
    %cond3A_4 = arith.constant 0 : i32
    %cond3A_5 = arith.cmpi ne, %convert_element_type3A_3, %cond3A_4 : i32
    scf.if %cond3A_5 {
      %get3A = arith.constant 0 : index
      %get3A_40 = arith.constant 0 : index
      %get3A_41 = vector.load %arg11[%get3A, %get3A_40] : memref<1024x128xf32, #tpu.memory_space<vmem>>, vector<1024x128xf32>
      %get3A_42 = arith.constant 0 : index
      %get3A_43 = arith.constant 0 : index
      %get3A_44 = vector.load %arg1[%get3A_42, %get3A_43] : memref<1024x1024xbf16, #tpu.memory_space<vmem>>, vector<1024x1024xbf16>
      %get3A_45 = arith.constant 0 : index
      %get3A_46 = arith.constant 0 : index
      %get3A_47 = vector.load %arg2[%get3A_45, %get3A_46] : memref<2048x1024xf32, #tpu.memory_space<vmem>>, vector<512x1024xf32>
      %convert_element_type3A_48 = arith.truncf %get3A_47 : vector<512x1024xf32> to vector<512x1024xbf16>
      %dot_general3A = arith.constant dense<0.000000e+00> : vector<1024x512xf32>
      %dot_general3A_49 = tpu.matmul %get3A_44, %convert_element_type3A_48, %dot_general3A {dimension_numbers = #tpu.dot_dimension_numbers<[1], [1], [0], [0], [0, 0, 1, 0], [], []>, transpose_lhs_hint = false} : vector<1024x1024xbf16>, vector<512x1024xbf16>, vector<1024x512xf32> -> vector<1024x512xf32>
      %get3A_50 = arith.constant 0 : index
      %get3A_51 = arith.constant 0 : index
      %get3A_52 = arith.constant 0 : index
      %get3A_53 = vector.load %arg3[%get3A_50, %get3A_51, %get3A_52] : memref<1x1x2048xf32, #tpu.memory_space<vmem>>, vector<1x1x2048xf32>
      %get3A_54 = vector.shape_cast %get3A_53 : vector<1x1x2048xf32> to vector<1x2048xf32>
      %slice3A = vector.extract_strided_slice %get3A_54 {offsets = [0, 0], sizes = [1, 512], strides = [1, 1]} : vector<1x2048xf32> to vector<1x512xf32>
      %add3A = vector.broadcast %slice3A : vector<1x512xf32> to vector<1024x512xf32>
      %add3A_55 = arith.addf %dot_general3A_49, %add3A : vector<1024x512xf32>
      %get3A_56 = arith.constant 0 : index
      %get3A_57 = arith.constant 0 : index
      %get3A_58 = vector.load %arg1[%get3A_56, %get3A_57] : memref<1024x1024xbf16, #tpu.memory_space<vmem>>, vector<1024x1024xbf16>
      %get3A_59 = arith.constant 512 : index
      %get3A_60 = arith.constant 0 : index
      %get3A_61 = vector.load %arg2[%get3A_59, %get3A_60] : memref<2048x1024xf32, #tpu.memory_space<vmem>>, vector<512x1024xf32>
      %convert_element_type3A_62 = arith.truncf %get3A_61 : vector<512x1024xf32> to vector<512x1024xbf16>
      %dot_general3A_63 = arith.constant dense<0.000000e+00> : vector<1024x512xf32>
      %dot_general3A_64 = tpu.matmul %get3A_58, %convert_element_type3A_62, %dot_general3A_63 {dimension_numbers = #tpu.dot_dimension_numbers<[1], [1], [0], [0], [0, 0, 1, 0], [], []>, transpose_lhs_hint = false} : vector<1024x1024xbf16>, vector<512x1024xbf16>, vector<1024x512xf32> -> vector<1024x512xf32>
      %get3A_65 = arith.constant 0 : index
      %get3A_66 = arith.constant 0 : index
      %get3A_67 = arith.constant 0 : index
      %get3A_68 = vector.load %arg3[%get3A_65, %get3A_66, %get3A_67] : memref<1x1x2048xf32, #tpu.memory_space<vmem>>, vector<1x1x2048xf32>
      %get3A_69 = vector.shape_cast %get3A_68 : vector<1x1x2048xf32> to vector<1x2048xf32>
      %slice3A_70 = vector.extract_strided_slice %get3A_69 {offsets = [0, 512], sizes = [1, 512], strides = [1, 1]} : vector<1x2048xf32> to vector<1x512xf32>
      %add3A_71 = vector.broadcast %slice3A_70 : vector<1x512xf32> to vector<1024x512xf32>
      %add3A_72 = arith.addf %dot_general3A_64, %add3A_71 : vector<1024x512xf32>
      %slice3A_73 = vector.extract_strided_slice %add3A_55 {offsets = [0, 0], sizes = [1024, 128], strides = [1, 1]} : vector<1024x512xf32> to vector<1024x128xf32>
      %exp23A = math.exp2 %slice3A_73 : vector<1024x128xf32>
      %add3A_74 = arith.addf %get3A_41, %exp23A : vector<1024x128xf32>
      %slice3A_75 = vector.extract_strided_slice %add3A_55 {offsets = [0, 128], sizes = [1024, 128], strides = [1, 1]} : vector<1024x512xf32> to vector<1024x128xf32>
      %exp23A_76 = math.exp2 %slice3A_75 : vector<1024x128xf32>
      %add3A_77 = arith.addf %add3A_74, %exp23A_76 : vector<1024x128xf32>
      %slice3A_78 = vector.extract_strided_slice %add3A_55 {offsets = [0, 256], sizes = [1024, 128], strides = [1, 1]} : vector<1024x512xf32> to vector<1024x128xf32>
      %exp23A_79 = math.exp2 %slice3A_78 : vector<1024x128xf32>
      %add3A_80 = arith.addf %add3A_77, %exp23A_79 : vector<1024x128xf32>
      %slice3A_81 = vector.extract_strided_slice %add3A_55 {offsets = [0, 384], sizes = [1024, 128], strides = [1, 1]} : vector<1024x512xf32> to vector<1024x128xf32>
      %exp23A_82 = math.exp2 %slice3A_81 : vector<1024x128xf32>
      %add3A_83 = arith.addf %add3A_80, %exp23A_82 : vector<1024x128xf32>
      %get3A_84 = arith.constant 0 : index
      %get3A_85 = arith.constant 0 : index
      %get3A_86 = vector.load %arg1[%get3A_84, %get3A_85] : memref<1024x1024xbf16, #tpu.memory_space<vmem>>, vector<1024x1024xbf16>
      %get3A_87 = arith.constant 1024 : index
      %get3A_88 = arith.constant 0 : index
      %get3A_89 = vector.load %arg2[%get3A_87, %get3A_88] : memref<2048x1024xf32, #tpu.memory_space<vmem>>, vector<512x1024xf32>
      %convert_element_type3A_90 = arith.truncf %get3A_89 : vector<512x1024xf32> to vector<512x1024xbf16>
      %dot_general3A_91 = arith.constant dense<0.000000e+00> : vector<1024x512xf32>
      %dot_general3A_92 = tpu.matmul %get3A_86, %convert_element_type3A_90, %dot_general3A_91 {dimension_numbers = #tpu.dot_dimension_numbers<[1], [1], [0], [0], [0, 0, 1, 0], [], []>, transpose_lhs_hint = false} : vector<1024x1024xbf16>, vector<512x1024xbf16>, vector<1024x512xf32> -> vector<1024x512xf32>
      %get3A_93 = arith.constant 0 : index
      %get3A_94 = arith.constant 0 : index
      %get3A_95 = arith.constant 0 : index
      %get3A_96 = vector.load %arg3[%get3A_93, %get3A_94, %get3A_95] : memref<1x1x2048xf32, #tpu.memory_space<vmem>>, vector<1x1x2048xf32>
      %get3A_97 = vector.shape_cast %get3A_96 : vector<1x1x2048xf32> to vector<1x2048xf32>
      %slice3A_98 = vector.extract_strided_slice %get3A_97 {offsets = [0, 1024], sizes = [1, 512], strides = [1, 1]} : vector<1x2048xf32> to vector<1x512xf32>
      %add3A_99 = vector.broadcast %slice3A_98 : vector<1x512xf32> to vector<1024x512xf32>
      %add3A_100 = arith.addf %dot_general3A_92, %add3A_99 : vector<1024x512xf32>
      %slice3A_101 = vector.extract_strided_slice %add3A_72 {offsets = [0, 0], sizes = [1024, 128], strides = [1, 1]} : vector<1024x512xf32> to vector<1024x128xf32>
      %exp23A_102 = math.exp2 %slice3A_101 : vector<1024x128xf32>
      %add3A_103 = arith.addf %add3A_83, %exp23A_102 : vector<1024x128xf32>
      %slice3A_104 = vector.extract_strided_slice %add3A_72 {offsets = [0, 128], sizes = [1024, 128], strides = [1, 1]} : vector<1024x512xf32> to vector<1024x128xf32>
      %exp23A_105 = math.exp2 %slice3A_104 : vector<1024x128xf32>
      %add3A_106 = arith.addf %add3A_103, %exp23A_105 : vector<1024x128xf32>
      %slice3A_107 = vector.extract_strided_slice %add3A_72 {offsets = [0, 256], sizes = [1024, 128], strides = [1, 1]} : vector<1024x512xf32> to vector<1024x128xf32>
      %exp23A_108 = math.exp2 %slice3A_107 : vector<1024x128xf32>
      %add3A_109 = arith.addf %add3A_106, %exp23A_108 : vector<1024x128xf32>
      %slice3A_110 = vector.extract_strided_slice %add3A_72 {offsets = [0, 384], sizes = [1024, 128], strides = [1, 1]} : vector<1024x512xf32> to vector<1024x128xf32>
      %exp23A_111 = math.exp2 %slice3A_110 : vector<1024x128xf32>
      %add3A_112 = arith.addf %add3A_109, %exp23A_111 : vector<1024x128xf32>
      %get3A_113 = arith.constant 0 : index
      %get3A_114 = arith.constant 0 : index
      %get3A_115 = vector.load %arg1[%get3A_113, %get3A_114] : memref<1024x1024xbf16, #tpu.memory_space<vmem>>, vector<1024x1024xbf16>
      %get3A_116 = arith.constant 1536 : index
      %get3A_117 = arith.constant 0 : index
      %get3A_118 = vector.load %arg2[%get3A_116, %get3A_117] : memref<2048x1024xf32, #tpu.memory_space<vmem>>, vector<512x1024xf32>
      %convert_element_type3A_119 = arith.truncf %get3A_118 : vector<512x1024xf32> to vector<512x1024xbf16>
      %dot_general3A_120 = arith.constant dense<0.000000e+00> : vector<1024x512xf32>
      %dot_general3A_121 = tpu.matmul %get3A_115, %convert_element_type3A_119, %dot_general3A_120 {dimension_numbers = #tpu.dot_dimension_numbers<[1], [1], [0], [0], [0, 0, 1, 0], [], []>, transpose_lhs_hint = false} : vector<1024x1024xbf16>, vector<512x1024xbf16>, vector<1024x512xf32> -> vector<1024x512xf32>
      %get3A_122 = arith.constant 0 : index
      %get3A_123 = arith.constant 0 : index
      %get3A_124 = arith.constant 0 : index
      %get3A_125 = vector.load %arg3[%get3A_122, %get3A_123, %get3A_124] : memref<1x1x2048xf32, #tpu.memory_space<vmem>>, vector<1x1x2048xf32>
      %get3A_126 = vector.shape_cast %get3A_125 : vector<1x1x2048xf32> to vector<1x2048xf32>
      %slice3A_127 = vector.extract_strided_slice %get3A_126 {offsets = [0, 1536], sizes = [1, 512], strides = [1, 1]} : vector<1x2048xf32> to vector<1x512xf32>
      %add3A_128 = vector.broadcast %slice3A_127 : vector<1x512xf32> to vector<1024x512xf32>
      %add3A_129 = arith.addf %dot_general3A_121, %add3A_128 : vector<1024x512xf32>
      %slice3A_130 = vector.extract_strided_slice %add3A_100 {offsets = [0, 0], sizes = [1024, 128], strides = [1, 1]} : vector<1024x512xf32> to vector<1024x128xf32>
      %exp23A_131 = math.exp2 %slice3A_130 : vector<1024x128xf32>
      %add3A_132 = arith.addf %add3A_112, %exp23A_131 : vector<1024x128xf32>
      %slice3A_133 = vector.extract_strided_slice %add3A_100 {offsets = [0, 128], sizes = [1024, 128], strides = [1, 1]} : vector<1024x512xf32> to vector<1024x128xf32>
      %exp23A_134 = math.exp2 %slice3A_133 : vector<1024x128xf32>
      %add3A_135 = arith.addf %add3A_132, %exp23A_134 : vector<1024x128xf32>
      %slice3A_136 = vector.extract_strided_slice %add3A_100 {offsets = [0, 256], sizes = [1024, 128], strides = [1, 1]} : vector<1024x512xf32> to vector<1024x128xf32>
      %exp23A_137 = math.exp2 %slice3A_136 : vector<1024x128xf32>
      %add3A_138 = arith.addf %add3A_135, %exp23A_137 : vector<1024x128xf32>
      %slice3A_139 = vector.extract_strided_slice %add3A_100 {offsets = [0, 384], sizes = [1024, 128], strides = [1, 1]} : vector<1024x512xf32> to vector<1024x128xf32>
      %exp23A_140 = math.exp2 %slice3A_139 : vector<1024x128xf32>
      %add3A_141 = arith.addf %add3A_138, %exp23A_140 : vector<1024x128xf32>
      %slice3A_142 = vector.extract_strided_slice %add3A_129 {offsets = [0, 0], sizes = [1024, 128], strides = [1, 1]} : vector<1024x512xf32> to vector<1024x128xf32>
      %exp23A_143 = math.exp2 %slice3A_142 : vector<1024x128xf32>
      %add3A_144 = arith.addf %add3A_141, %exp23A_143 : vector<1024x128xf32>
      %slice3A_145 = vector.extract_strided_slice %add3A_129 {offsets = [0, 128], sizes = [1024, 128], strides = [1, 1]} : vector<1024x512xf32> to vector<1024x128xf32>
      %exp23A_146 = math.exp2 %slice3A_145 : vector<1024x128xf32>
      %add3A_147 = arith.addf %add3A_144, %exp23A_146 : vector<1024x128xf32>
      %slice3A_148 = vector.extract_strided_slice %add3A_129 {offsets = [0, 256], sizes = [1024, 128], strides = [1, 1]} : vector<1024x512xf32> to vector<1024x128xf32>
      %exp23A_149 = math.exp2 %slice3A_148 : vector<1024x128xf32>
      %add3A_150 = arith.addf %add3A_147, %exp23A_149 : vector<1024x128xf32>
      %slice3A_151 = vector.extract_strided_slice %add3A_129 {offsets = [0, 384], sizes = [1024, 128], strides = [1, 1]} : vector<1024x512xf32> to vector<1024x128xf32>
      %exp23A_152 = math.exp2 %slice3A_151 : vector<1024x128xf32>
      %add3A_153 = arith.addf %add3A_150, %exp23A_152 : vector<1024x128xf32>
      %swap3A = arith.constant 0 : index
      %swap3A_154 = arith.constant 0 : index
      %swap3A_155 = vector.load %arg11[%swap3A, %swap3A_154] : memref<1024x128xf32, #tpu.memory_space<vmem>>, vector<1024x128xf32>
      tpu.vector_store %arg11[%swap3A, %swap3A_154], %add3A_153 {strides = array<i32>} : memref<1024x128xf32, #tpu.memory_space<vmem>>, vector<1024x128xf32>,
    } else {
    }
    %eq3A_6 = arith.constant 0 : i32
    %eq3A_7 = arith.cmpi eq, %arg0, %eq3A_6 : i32
    %convert_element_type3A_8 = arith.extui %eq3A_7 : i1 to i32
    %cond3A_9 = arith.constant 0 : i32
    %cond3A_10 = arith.cmpi ne, %convert_element_type3A_8, %cond3A_9 : i32
    scf.if %cond3A_10 {
      %get3A = arith.constant 0 : index
      %get3A_40 = arith.constant 0 : index
      %get3A_41 = vector.load %arg11[%get3A, %get3A_40] : memref<1024x128xf32, #tpu.memory_space<vmem>>, vector<1024x128xf32>
      %get3A_42 = arith.constant 0 : index
      %get3A_43 = arith.constant 0 : index
      %get3A_44 = vector.load %arg1[%get3A_42, %get3A_43] : memref<1024x1024xbf16, #tpu.memory_space<vmem>>, vector<1024x1024xbf16>
      %get3A_45 = arith.constant 0 : index
      %get3A_46 = arith.constant 0 : index
      %get3A_47 = vector.load %arg2[%get3A_45, %get3A_46] : memref<2048x1024xf32, #tpu.memory_space<vmem>>, vector<512x1024xf32>
      %convert_element_type3A_48 = arith.truncf %get3A_47 : vector<512x1024xf32> to vector<512x1024xbf16>
      %dot_general3A = arith.constant dense<0.000000e+00> : vector<1024x512xf32>
      %dot_general3A_49 = tpu.matmul %get3A_44, %convert_element_type3A_48, %dot_general3A {dimension_numbers = #tpu.dot_dimension_numbers<[1], [1], [0], [0], [0, 0, 1, 0], [], []>, transpose_lhs_hint = false} : vector<1024x1024xbf16>, vector<512x1024xbf16>, vector<1024x512xf32> -> vector<1024x512xf32>
      %get3A_50 = arith.constant 0 : index
      %get3A_51 = arith.constant 0 : index
      %get3A_52 = arith.constant 0 : index
      %get3A_53 = vector.load %arg3[%get3A_50, %get3A_51, %get3A_52] : memref<1x1x2048xf32, #tpu.memory_space<vmem>>, vector<1x1x2048xf32>
      %get3A_54 = vector.shape_cast %get3A_53 : vector<1x1x2048xf32> to vector<1x2048xf32>
      %slice3A = vector.extract_strided_slice %get3A_54 {offsets = [0, 0], sizes = [1, 512], strides = [1, 1]} : vector<1x2048xf32> to vector<1x512xf32>
      %add3A = vector.broadcast %slice3A : vector<1x512xf32> to vector<1024x512xf32>
      %add3A_55 = arith.addf %dot_general3A_49, %add3A : vector<1024x512xf32>
      %get3A_56 = arith.constant 0 : index
      %get3A_57 = arith.constant 0 : index
      %get3A_58 = vector.load %arg1[%get3A_56, %get3A_57] : memref<1024x1024xbf16, #tpu.memory_space<vmem>>, vector<1024x1024xbf16>
      %get3A_59 = arith.constant 512 : index
      %get3A_60 = arith.constant 0 : index
      %get3A_61 = vector.load %arg2[%get3A_59, %get3A_60] : memref<2048x1024xf32, #tpu.memory_space<vmem>>, vector<512x1024xf32>
      %convert_element_type3A_62 = arith.truncf %get3A_61 : vector<512x1024xf32> to vector<512x1024xbf16>
      %dot_general3A_63 = arith.constant dense<0.000000e+00> : vector<1024x512xf32>
      %dot_general3A_64 = tpu.matmul %get3A_58, %convert_element_type3A_62, %dot_general3A_63 {dimension_numbers = #tpu.dot_dimension_numbers<[1], [1], [0], [0], [0, 0, 1, 0], [], []>, transpose_lhs_hint = false} : vector<1024x1024xbf16>, vector<512x1024xbf16>, vector<1024x512xf32> -> vector<1024x512xf32>
      %get3A_65 = arith.constant 0 : index
      %get3A_66 = arith.constant 0 : index
      %get3A_67 = arith.constant 0 : index
      %get3A_68 = vector.load %arg3[%get3A_65, %get3A_66, %get3A_67] : memref<1x1x2048xf32, #tpu.memory_space<vmem>>, vector<1x1x2048xf32>
      %get3A_69 = vector.shape_cast %get3A_68 : vector<1x1x2048xf32> to vector<1x2048xf32>
      %slice3A_70 = vector.extract_strided_slice %get3A_69 {offsets = [0, 512], sizes = [1, 512], strides = [1, 1]} : vector<1x2048xf32> to vector<1x512xf32>
      %add3A_71 = vector.broadcast %slice3A_70 : vector<1x512xf32> to vector<1024x512xf32>
      %add3A_72 = arith.addf %dot_general3A_64, %add3A_71 : vector<1024x512xf32>
      %mul3A = arith.constant 2048 : i32
      %mul3A_73 = arith.muli %arg0, %mul3A : i32
      %add3A_74 = arith.constant 0 : i32
      %add3A_75 = arith.addi %mul3A_73, %add3A_74 : i32
      %iota3A = tpu.iota {dimensions = array<i32: 1>} : vector<1x512xi32>
      %add3A_76 = vector.broadcast %add3A_75 : i32 to vector<1x512xi32>
      %add3A_77 = arith.addi %add3A_76, %iota3A : vector<1x512xi32>
      %lt3A_78 = arith.constant 2000 : i32
      %lt3A_79 = vector.broadcast %lt3A_78 : i32 to vector<1x512xi32>
      %lt3A_80 = arith.cmpi slt, %add3A_77, %lt3A_79 : vector<1x512xi32>
      %jit3A = arith.constant -1.000000e+30 : f32
      %broadcast_in_dim3A = vector.shape_cast %lt3A_80 : vector<1x512xi1> to vector<1x512xi1>
      %broadcast_in_dim3A_81 = vector.broadcast %broadcast_in_dim3A : vector<1x512xi1> to vector<1024x512xi1>
      %broadcast_in_dim3A_82 = vector.broadcast %jit3A : f32 to vector<1024x512xf32>
      %select_n3A = arith.select %broadcast_in_dim3A_81, %add3A_55, %broadcast_in_dim3A_82 : vector<1024x512xi1>, vector<1024x512xf32>
      %slice3A_83 = vector.extract_strided_slice %select_n3A {offsets = [0, 0], sizes = [1024, 128], strides = [1, 1]} : vector<1024x512xf32> to vector<1024x128xf32>
      %exp23A = math.exp2 %slice3A_83 : vector<1024x128xf32>
      %add3A_84 = arith.addf %get3A_41, %exp23A : vector<1024x128xf32>
      %slice3A_85 = vector.extract_strided_slice %select_n3A {offsets = [0, 128], sizes = [1024, 128], strides = [1, 1]} : vector<1024x512xf32> to vector<1024x128xf32>
      %exp23A_86 = math.exp2 %slice3A_85 : vector<1024x128xf32>
      %add3A_87 = arith.addf %add3A_84, %exp23A_86 : vector<1024x128xf32>
      %slice3A_88 = vector.extract_strided_slice %select_n3A {offsets = [0, 256], sizes = [1024, 128], strides = [1, 1]} : vector<1024x512xf32> to vector<1024x128xf32>
      %exp23A_89 = math.exp2 %slice3A_88 : vector<1024x128xf32>
      %add3A_90 = arith.addf %add3A_87, %exp23A_89 : vector<1024x128xf32>
      %slice3A_91 = vector.extract_strided_slice %select_n3A {offsets = [0, 384], sizes = [1024, 128], strides = [1, 1]} : vector<1024x512xf32> to vector<1024x128xf32>
      %exp23A_92 = math.exp2 %slice3A_91 : vector<1024x128xf32>
      %add3A_93 = arith.addf %add3A_90, %exp23A_92 : vector<1024x128xf32>
      %get3A_94 = arith.constant 0 : index
      %get3A_95 = arith.constant 0 : index
      %get3A_96 = vector.load %arg1[%get3A_94, %get3A_95] : memref<1024x1024xbf16, #tpu.memory_space<vmem>>, vector<1024x1024xbf16>
      %get3A_97 = arith.constant 1024 : index
      %get3A_98 = arith.constant 0 : index
      %get3A_99 = vector.load %arg2[%get3A_97, %get3A_98] : memref<2048x1024xf32, #tpu.memory_space<vmem>>, vector<512x1024xf32>
      %convert_element_type3A_100 = arith.truncf %get3A_99 : vector<512x1024xf32> to vector<512x1024xbf16>
      %dot_general3A_101 = arith.constant dense<0.000000e+00> : vector<1024x512xf32>
      %dot_general3A_102 = tpu.matmul %get3A_96, %convert_element_type3A_100, %dot_general3A_101 {dimension_numbers = #tpu.dot_dimension_numbers<[1], [1], [0], [0], [0, 0, 1, 0], [], []>, transpose_lhs_hint = false} : vector<1024x1024xbf16>, vector<512x1024xbf16>, vector<1024x512xf32> -> vector<1024x512xf32>
      %get3A_103 = arith.constant 0 : index
      %get3A_104 = arith.constant 0 : index
      %get3A_105 = arith.constant 0 : index
      %get3A_106 = vector.load %arg3[%get3A_103, %get3A_104, %get3A_105] : memref<1x1x2048xf32, #tpu.memory_space<vmem>>, vector<1x1x2048xf32>
      %get3A_107 = vector.shape_cast %get3A_106 : vector<1x1x2048xf32> to vector<1x2048xf32>
      %slice3A_108 = vector.extract_strided_slice %get3A_107 {offsets = [0, 1024], sizes = [1, 512], strides = [1, 1]} : vector<1x2048xf32> to vector<1x512xf32>
      %add3A_109 = vector.broadcast %slice3A_108 : vector<1x512xf32> to vector<1024x512xf32>
      %add3A_110 = arith.addf %dot_general3A_102, %add3A_109 : vector<1024x512xf32>
      %mul3A_111 = arith.constant 2048 : i32
      %mul3A_112 = arith.muli %arg0, %mul3A_111 : i32
      %add3A_113 = arith.constant 512 : i32
      %add3A_114 = arith.addi %mul3A_112, %add3A_113 : i32
      %iota3A_115 = tpu.iota {dimensions = array<i32: 1>} : vector<1x512xi32>
      %add3A_116 = vector.broadcast %add3A_114 : i32 to vector<1x512xi32>
      %add3A_117 = arith.addi %add3A_116, %iota3A_115 : vector<1x512xi32>
      %lt3A_118 = arith.constant 2000 : i32
      %lt3A_119 = vector.broadcast %lt3A_118 : i32 to vector<1x512xi32>
      %lt3A_120 = arith.cmpi slt, %add3A_117, %lt3A_119 : vector<1x512xi32>
      %jit3A_121 = arith.constant -1.000000e+30 : f32
      %broadcast_in_dim3A_122 = vector.shape_cast %lt3A_120 : vector<1x512xi1> to vector<1x512xi1>
      %broadcast_in_dim3A_123 = vector.broadcast %broadcast_in_dim3A_122 : vector<1x512xi1> to vector<1024x512xi1>
      %broadcast_in_dim3A_124 = vector.broadcast %jit3A_121 : f32 to vector<1024x512xf32>
      %select_n3A_125 = arith.select %broadcast_in_dim3A_123, %add3A_72, %broadcast_in_dim3A_124 : vector<1024x512xi1>, vector<1024x512xf32>
      %slice3A_126 = vector.extract_strided_slice %select_n3A_125 {offsets = [0, 0], sizes = [1024, 128], strides = [1, 1]} : vector<1024x512xf32> to vector<1024x128xf32>
      %exp23A_127 = math.exp2 %slice3A_126 : vector<1024x128xf32>
      %add3A_128 = arith.addf %add3A_93, %exp23A_127 : vector<1024x128xf32>
      %slice3A_129 = vector.extract_strided_slice %select_n3A_125 {offsets = [0, 128], sizes = [1024, 128], strides = [1, 1]} : vector<1024x512xf32> to vector<1024x128xf32>
      %exp23A_130 = math.exp2 %slice3A_129 : vector<1024x128xf32>
      %add3A_131 = arith.addf %add3A_128, %exp23A_130 : vector<1024x128xf32>
      %slice3A_132 = vector.extract_strided_slice %select_n3A_125 {offsets = [0, 256], sizes = [1024, 128], strides = [1, 1]} : vector<1024x512xf32> to vector<1024x128xf32>
      %exp23A_133 = math.exp2 %slice3A_132 : vector<1024x128xf32>
      %add3A_134 = arith.addf %add3A_131, %exp23A_133 : vector<1024x128xf32>
      %slice3A_135 = vector.extract_strided_slice %select_n3A_125 {offsets = [0, 384], sizes = [1024, 128], strides = [1, 1]} : vector<1024x512xf32> to vector<1024x128xf32>
      %exp23A_136 = math.exp2 %slice3A_135 : vector<1024x128xf32>
      %add3A_137 = arith.addf %add3A_134, %exp23A_136 : vector<1024x128xf32>
      %get3A_138 = arith.constant 0 : index
      %get3A_139 = arith.constant 0 : index
      %get3A_140 = vector.load %arg1[%get3A_138, %get3A_139] : memref<1024x1024xbf16, #tpu.memory_space<vmem>>, vector<1024x1024xbf16>
      %get3A_141 = arith.constant 1536 : index
      %get3A_142 = arith.constant 0 : index
      %get3A_143 = vector.load %arg2[%get3A_141, %get3A_142] : memref<2048x1024xf32, #tpu.memory_space<vmem>>, vector<512x1024xf32>
      %convert_element_type3A_144 = arith.truncf %get3A_143 : vector<512x1024xf32> to vector<512x1024xbf16>
      %dot_general3A_145 = arith.constant dense<0.000000e+00> : vector<1024x512xf32>
      %dot_general3A_146 = tpu.matmul %get3A_140, %convert_element_type3A_144, %dot_general3A_145 {dimension_numbers = #tpu.dot_dimension_numbers<[1], [1], [0], [0], [0, 0, 1, 0], [], []>, transpose_lhs_hint = false} : vector<1024x1024xbf16>, vector<512x1024xbf16>, vector<1024x512xf32> -> vector<1024x512xf32>
      %get3A_147 = arith.constant 0 : index
      %get3A_148 = arith.constant 0 : index
      %get3A_149 = arith.constant 0 : index
      %get3A_150 = vector.load %arg3[%get3A_147, %get3A_148, %get3A_149] : memref<1x1x2048xf32, #tpu.memory_space<vmem>>, vector<1x1x2048xf32>
      %get3A_151 = vector.shape_cast %get3A_150 : vector<1x1x2048xf32> to vector<1x2048xf32>
      %slice3A_152 = vector.extract_strided_slice %get3A_151 {offsets = [0, 1536], sizes = [1, 512], strides = [1, 1]} : vector<1x2048xf32> to vector<1x512xf32>
      %add3A_153 = vector.broadcast %slice3A_152 : vector<1x512xf32> to vector<1024x512xf32>
      %add3A_154 = arith.addf %dot_general3A_146, %add3A_153 : vector<1024x512xf32>
      %mul3A_155 = arith.constant 2048 : i32
      %mul3A_156 = arith.muli %arg0, %mul3A_155 : i32
      %add3A_157 = arith.constant 1024 : i32
      %add3A_158 = arith.addi %mul3A_156, %add3A_157 : i32
      %iota3A_159 = tpu.iota {dimensions = array<i32: 1>} : vector<1x512xi32>
      %add3A_160 = vector.broadcast %add3A_158 : i32 to vector<1x512xi32>
      %add3A_161 = arith.addi %add3A_160, %iota3A_159 : vector<1x512xi32>
      %lt3A_162 = arith.constant 2000 : i32
      %lt3A_163 = vector.broadcast %lt3A_162 : i32 to vector<1x512xi32>
      %lt3A_164 = arith.cmpi slt, %add3A_161, %lt3A_163 : vector<1x512xi32>
      %jit3A_165 = arith.constant -1.000000e+30 : f32
      %broadcast_in_dim3A_166 = vector.shape_cast %lt3A_164 : vector<1x512xi1> to vector<1x512xi1>
      %broadcast_in_dim3A_167 = vector.broadcast %broadcast_in_dim3A_166 : vector<1x512xi1> to vector<1024x512xi1>
      %broadcast_in_dim3A_168 = vector.broadcast %jit3A_165 : f32 to vector<1024x512xf32>
      %select_n3A_169 = arith.select %broadcast_in_dim3A_167, %add3A_110, %broadcast_in_dim3A_168 : vector<1024x512xi1>, vector<1024x512xf32>
      %slice3A_170 = vector.extract_strided_slice %select_n3A_169 {offsets = [0, 0], sizes = [1024, 128], strides = [1, 1]} : vector<1024x512xf32> to vector<1024x128xf32>
      %exp23A_171 = math.exp2 %slice3A_170 : vector<1024x128xf32>
      %add3A_172 = arith.addf %add3A_137, %exp23A_171 : vector<1024x128xf32>
      %slice3A_173 = vector.extract_strided_slice %select_n3A_169 {offsets = [0, 128], sizes = [1024, 128], strides = [1, 1]} : vector<1024x512xf32> to vector<1024x128xf32>
      %exp23A_174 = math.exp2 %slice3A_173 : vector<1024x128xf32>
      %add3A_175 = arith.addf %add3A_172, %exp23A_174 : vector<1024x128xf32>
      %slice3A_176 = vector.extract_strided_slice %select_n3A_169 {offsets = [0, 256], sizes = [1024, 128], strides = [1, 1]} : vector<1024x512xf32> to vector<1024x128xf32>
      %exp23A_177 = math.exp2 %slice3A_176 : vector<1024x128xf32>
      %add3A_178 = arith.addf %add3A_175, %exp23A_177 : vector<1024x128xf32>
      %slice3A_179 = vector.extract_strided_slice %select_n3A_169 {offsets = [0, 384], sizes = [1024, 128], strides = [1, 1]} : vector<1024x512xf32> to vector<1024x128xf32>
      %exp23A_180 = math.exp2 %slice3A_179 : vector<1024x128xf32>
      %add3A_181 = arith.addf %add3A_178, %exp23A_180 : vector<1024x128xf32>
      %mul3A_182 = arith.constant 2048 : i32
      %mul3A_183 = arith.muli %arg0, %mul3A_182 : i32
      %add3A_184 = arith.constant 1536 : i32
      %add3A_185 = arith.addi %mul3A_183, %add3A_184 : i32
      %iota3A_186 = tpu.iota {dimensions = array<i32: 1>} : vector<1x512xi32>
      %add3A_187 = vector.broadcast %add3A_185 : i32 to vector<1x512xi32>
      %add3A_188 = arith.addi %add3A_187, %iota3A_186 : vector<1x512xi32>
      %lt3A_189 = arith.constant 2000 : i32
      %lt3A_190 = vector.broadcast %lt3A_189 : i32 to vector<1x512xi32>
      %lt3A_191 = arith.cmpi slt, %add3A_188, %lt3A_190 : vector<1x512xi32>
      %jit3A_192 = arith.constant -1.000000e+30 : f32
      %broadcast_in_dim3A_193 = vector.shape_cast %lt3A_191 : vector<1x512xi1> to vector<1x512xi1>
      %broadcast_in_dim3A_194 = vector.broadcast %broadcast_in_dim3A_193 : vector<1x512xi1> to vector<1024x512xi1>
      %broadcast_in_dim3A_195 = vector.broadcast %jit3A_192 : f32 to vector<1024x512xf32>
      %select_n3A_196 = arith.select %broadcast_in_dim3A_194, %add3A_154, %broadcast_in_dim3A_195 : vector<1024x512xi1>, vector<1024x512xf32>
      %slice3A_197 = vector.extract_strided_slice %select_n3A_196 {offsets = [0, 0], sizes = [1024, 128], strides = [1, 1]} : vector<1024x512xf32> to vector<1024x128xf32>
      %exp23A_198 = math.exp2 %slice3A_197 : vector<1024x128xf32>
      %add3A_199 = arith.addf %add3A_181, %exp23A_198 : vector<1024x128xf32>
      %slice3A_200 = vector.extract_strided_slice %select_n3A_196 {offsets = [0, 128], sizes = [1024, 128], strides = [1, 1]} : vector<1024x512xf32> to vector<1024x128xf32>
      %exp23A_201 = math.exp2 %slice3A_200 : vector<1024x128xf32>
      %add3A_202 = arith.addf %add3A_199, %exp23A_201 : vector<1024x128xf32>
      %slice3A_203 = vector.extract_strided_slice %select_n3A_196 {offsets = [0, 256], sizes = [1024, 128], strides = [1, 1]} : vector<1024x512xf32> to vector<1024x128xf32>
      %exp23A_204 = math.exp2 %slice3A_203 : vector<1024x128xf32>
      %add3A_205 = arith.addf %add3A_202, %exp23A_204 : vector<1024x128xf32>
      %slice3A_206 = vector.extract_strided_slice %select_n3A_196 {offsets = [0, 384], sizes = [1024, 128], strides = [1, 1]} : vector<1024x512xf32> to vector<1024x128xf32>
      %exp23A_207 = math.exp2 %slice3A_206 : vector<1024x128xf32>
      %add3A_208 = arith.addf %add3A_205, %exp23A_207 : vector<1024x128xf32>
      %swap3A = arith.constant 0 : index
      %swap3A_209 = arith.constant 0 : index
      %swap3A_210 = vector.load %arg11[%swap3A, %swap3A_209] : memref<1024x128xf32, #tpu.memory_space<vmem>>, vector<1024x128xf32>
      tpu.vector_store %arg11[%swap3A, %swap3A_209], %add3A_208 {strides = array<i32>} : memref<1024x128xf32, #tpu.memory_space<vmem>>, vector<1024x128xf32>,
      %get3A_211 = arith.constant 0 : index
      %get3A_212 = arith.constant 0 : index
      %get3A_213 = vector.load %arg12[%get3A_211, %get3A_212] : memref<1024x128xf32, #tpu.memory_space<vmem>>, vector<1024x128xf32>
      %get3A_214 = arith.constant 0 : index
      %get3A_215 = arith.constant 0 : index
      %get3A_216 = vector.load %arg1[%get3A_214, %get3A_215] : memref<1024x1024xbf16, #tpu.memory_space<vmem>>, vector<1024x1024xbf16>
      %get3A_217 = arith.constant 0 : index
      %get3A_218 = arith.constant 0 : index
      %get3A_219 = vector.load %arg2[%get3A_217, %get3A_218] : memref<2048x1024xf32, #tpu.memory_space<vmem>>, vector<512x1024xf32>
      %convert_element_type3A_220 = arith.truncf %get3A_219 : vector<512x1024xf32> to vector<512x1024xbf16>
      %dot_general3A_221 = arith.constant dense<0.000000e+00> : vector<1024x512xf32>
      %dot_general3A_222 = tpu.matmul %get3A_216, %convert_element_type3A_220, %dot_general3A_221 {dimension_numbers = #tpu.dot_dimension_numbers<[1], [1], [0], [0], [0, 0, 1, 0], [], []>, transpose_lhs_hint = false} : vector<1024x1024xbf16>, vector<512x1024xbf16>, vector<1024x512xf32> -> vector<1024x512xf32>
      %get3A_223 = arith.constant 0 : index
      %get3A_224 = arith.constant 0 : index
      %get3A_225 = arith.constant 0 : index
      %get3A_226 = vector.load %arg3[%get3A_223, %get3A_224, %get3A_225] : memref<1x1x2048xf32, #tpu.memory_space<vmem>>, vector<1x1x2048xf32>
      %get3A_227 = vector.shape_cast %get3A_226 : vector<1x1x2048xf32> to vector<1x2048xf32>
      %slice3A_228 = vector.extract_strided_slice %get3A_227 {offsets = [0, 0], sizes = [1, 512], strides = [1, 1]} : vector<1x2048xf32> to vector<1x512xf32>
      %add3A_229 = vector.broadcast %slice3A_228 : vector<1x512xf32> to vector<1024x512xf32>
      %add3A_230 = arith.addf %dot_general3A_222, %add3A_229 : vector<1024x512xf32>
      %get3A_231 = arith.constant 0 : index
      %get3A_232 = arith.constant 0 : index
      %get3A_233 = vector.load %arg1[%get3A_231, %get3A_232] : memref<1024x1024xbf16, #tpu.memory_space<vmem>>, vector<1024x1024xbf16>
      %get3A_234 = arith.constant 512 : index
      %get3A_235 = arith.constant 0 : index
      %get3A_236 = vector.load %arg2[%get3A_234, %get3A_235] : memref<2048x1024xf32, #tpu.memory_space<vmem>>, vector<512x1024xf32>
      %convert_element_type3A_237 = arith.truncf %get3A_236 : vector<512x1024xf32> to vector<512x1024xbf16>
      %dot_general3A_238 = arith.constant dense<0.000000e+00> : vector<1024x512xf32>
      %dot_general3A_239 = tpu.matmul %get3A_233, %convert_element_type3A_237, %dot_general3A_238 {dimension_numbers = #tpu.dot_dimension_numbers<[1], [1], [0], [0], [0, 0, 1, 0], [], []>, transpose_lhs_hint = false} : vector<1024x1024xbf16>, vector<512x1024xbf16>, vector<1024x512xf32> -> vector<1024x512xf32>
      %get3A_240 = arith.constant 0 : index
      %get3A_241 = arith.constant 0 : index
      %get3A_242 = arith.constant 0 : index
      %get3A_243 = vector.load %arg3[%get3A_240, %get3A_241, %get3A_242] : memref<1x1x2048xf32, #tpu.memory_space<vmem>>, vector<1x1x2048xf32>
      %get3A_244 = vector.shape_cast %get3A_243 : vector<1x1x2048xf32> to vector<1x2048xf32>
      %slice3A_245 = vector.extract_strided_slice %get3A_244 {offsets = [0, 512], sizes = [1, 512], strides = [1, 1]} : vector<1x2048xf32> to vector<1x512xf32>
      %add3A_246 = vector.broadcast %slice3A_245 : vector<1x512xf32> to vector<1024x512xf32>
      %add3A_247 = arith.addf %dot_general3A_239, %add3A_246 : vector<1024x512xf32>
      %mul3A_248 = arith.constant 2048 : i32
      %mul3A_249 = arith.muli %arg0, %mul3A_248 : i32
      %add3A_250 = arith.constant 0 : i32
      %add3A_251 = arith.addi %mul3A_249, %add3A_250 : i32
      %iota3A_252 = tpu.iota {dimensions = array<i32: 1>} : vector<1x512xi32>
      %add3A_253 = vector.broadcast %add3A_251 : i32 to vector<1x512xi32>
      %add3A_254 = arith.addi %add3A_253, %iota3A_252 : vector<1x512xi32>
      %ge3A = arith.constant 2000 : i32
      %ge3A_255 = vector.broadcast %ge3A : i32 to vector<1x512xi32>
      %ge3A_256 = arith.cmpi sge, %add3A_254, %ge3A_255 : vector<1x512xi32>
      %jit3A_257 = arith.constant -1.000000e+30 : f32
      %broadcast_in_dim3A_258 = vector.shape_cast %ge3A_256 : vector<1x512xi1> to vector<1x512xi1>
      %broadcast_in_dim3A_259 = vector.broadcast %broadcast_in_dim3A_258 : vector<1x512xi1> to vector<1024x512xi1>
      %broadcast_in_dim3A_260 = vector.broadcast %jit3A_257 : f32 to vector<1024x512xf32>
      %select_n3A_261 = arith.select %broadcast_in_dim3A_259, %add3A_230, %broadcast_in_dim3A_260 : vector<1024x512xi1>, vector<1024x512xf32>
      %slice3A_262 = vector.extract_strided_slice %select_n3A_261 {offsets = [0, 0], sizes = [1024, 128], strides = [1, 1]} : vector<1024x512xf32> to vector<1024x128xf32>
      %exp23A_263 = math.exp2 %slice3A_262 : vector<1024x128xf32>
      %add3A_264 = arith.addf %get3A_213, %exp23A_263 : vector<1024x128xf32>
      %slice3A_265 = vector.extract_strided_slice %select_n3A_261 {offsets = [0, 128], sizes = [1024, 128], strides = [1, 1]} : vector<1024x512xf32> to vector<1024x128xf32>
      %exp23A_266 = math.exp2 %slice3A_265 : vector<1024x128xf32>
      %add3A_267 = arith.addf %add3A_264, %exp23A_266 : vector<1024x128xf32>
      %slice3A_268 = vector.extract_strided_slice %select_n3A_261 {offsets = [0, 256], sizes = [1024, 128], strides = [1, 1]} : vector<1024x512xf32> to vector<1024x128xf32>
      %exp23A_269 = math.exp2 %slice3A_268 : vector<1024x128xf32>
      %add3A_270 = arith.addf %add3A_267, %exp23A_269 : vector<1024x128xf32>
      %slice3A_271 = vector.extract_strided_slice %select_n3A_261 {offsets = [0, 384], sizes = [1024, 128], strides = [1, 1]} : vector<1024x512xf32> to vector<1024x128xf32>
      %exp23A_272 = math.exp2 %slice3A_271 : vector<1024x128xf32>
      %add3A_273 = arith.addf %add3A_270, %exp23A_272 : vector<1024x128xf32>
      %get3A_274 = arith.constant 0 : index
      %get3A_275 = arith.constant 0 : index
      %get3A_276 = vector.load %arg1[%get3A_274, %get3A_275] : memref<1024x1024xbf16, #tpu.memory_space<vmem>>, vector<1024x1024xbf16>
      %get3A_277 = arith.constant 1024 : index
      %get3A_278 = arith.constant 0 : index
      %get3A_279 = vector.load %arg2[%get3A_277, %get3A_278] : memref<2048x1024xf32, #tpu.memory_space<vmem>>, vector<512x1024xf32>
      %convert_element_type3A_280 = arith.truncf %get3A_279 : vector<512x1024xf32> to vector<512x1024xbf16>
      %dot_general3A_281 = arith.constant dense<0.000000e+00> : vector<1024x512xf32>
      %dot_general3A_282 = tpu.matmul %get3A_276, %convert_element_type3A_280, %dot_general3A_281 {dimension_numbers = #tpu.dot_dimension_numbers<[1], [1], [0], [0], [0, 0, 1, 0], [], []>, transpose_lhs_hint = false} : vector<1024x1024xbf16>, vector<512x1024xbf16>, vector<1024x512xf32> -> vector<1024x512xf32>
      %get3A_283 = arith.constant 0 : index
      %get3A_284 = arith.constant 0 : index
      %get3A_285 = arith.constant 0 : index
      %get3A_286 = vector.load %arg3[%get3A_283, %get3A_284, %get3A_285] : memref<1x1x2048xf32, #tpu.memory_space<vmem>>, vector<1x1x2048xf32>
      %get3A_287 = vector.shape_cast %get3A_286 : vector<1x1x2048xf32> to vector<1x2048xf32>
      %slice3A_288 = vector.extract_strided_slice %get3A_287 {offsets = [0, 1024], sizes = [1, 512], strides = [1, 1]} : vector<1x2048xf32> to vector<1x512xf32>
      %add3A_289 = vector.broadcast %slice3A_288 : vector<1x512xf32> to vector<1024x512xf32>
      %add3A_290 = arith.addf %dot_general3A_282, %add3A_289 : vector<1024x512xf32>
      %mul3A_291 = arith.constant 2048 : i32
      %mul3A_292 = arith.muli %arg0, %mul3A_291 : i32
      %add3A_293 = arith.constant 512 : i32
      %add3A_294 = arith.addi %mul3A_292, %add3A_293 : i32
      %iota3A_295 = tpu.iota {dimensions = array<i32: 1>} : vector<1x512xi32>
      %add3A_296 = vector.broadcast %add3A_294 : i32 to vector<1x512xi32>
      %add3A_297 = arith.addi %add3A_296, %iota3A_295 : vector<1x512xi32>
      %ge3A_298 = arith.constant 2000 : i32
      %ge3A_299 = vector.broadcast %ge3A_298 : i32 to vector<1x512xi32>
      %ge3A_300 = arith.cmpi sge, %add3A_297, %ge3A_299 : vector<1x512xi32>
      %jit3A_301 = arith.constant -1.000000e+30 : f32
      %broadcast_in_dim3A_302 = vector.shape_cast %ge3A_300 : vector<1x512xi1> to vector<1x512xi1>
      %broadcast_in_dim3A_303 = vector.broadcast %broadcast_in_dim3A_302 : vector<1x512xi1> to vector<1024x512xi1>
      %broadcast_in_dim3A_304 = vector.broadcast %jit3A_301 : f32 to vector<1024x512xf32>
      %select_n3A_305 = arith.select %broadcast_in_dim3A_303, %add3A_247, %broadcast_in_dim3A_304 : vector<1024x512xi1>, vector<1024x512xf32>
      %slice3A_306 = vector.extract_strided_slice %select_n3A_305 {offsets = [0, 0], sizes = [1024, 128], strides = [1, 1]} : vector<1024x512xf32> to vector<1024x128xf32>
      %exp23A_307 = math.exp2 %slice3A_306 : vector<1024x128xf32>
      %add3A_308 = arith.addf %add3A_273, %exp23A_307 : vector<1024x128xf32>
      %slice3A_309 = vector.extract_strided_slice %select_n3A_305 {offsets = [0, 128], sizes = [1024, 128], strides = [1, 1]} : vector<1024x512xf32> to vector<1024x128xf32>
      %exp23A_310 = math.exp2 %slice3A_309 : vector<1024x128xf32>
      %add3A_311 = arith.addf %add3A_308, %exp23A_310 : vector<1024x128xf32>
      %slice3A_312 = vector.extract_strided_slice %select_n3A_305 {offsets = [0, 256], sizes = [1024, 128], strides = [1, 1]} : vector<1024x512xf32> to vector<1024x128xf32>
      %exp23A_313 = math.exp2 %slice3A_312 : vector<1024x128xf32>
      %add3A_314 = arith.addf %add3A_311, %exp23A_313 : vector<1024x128xf32>
      %slice3A_315 = vector.extract_strided_slice %select_n3A_305 {offsets = [0, 384], sizes = [1024, 128], strides = [1, 1]} : vector<1024x512xf32> to vector<1024x128xf32>
      %exp23A_316 = math.exp2 %slice3A_315 : vector<1024x128xf32>
      %add3A_317 = arith.addf %add3A_314, %exp23A_316 : vector<1024x128xf32>
      %get3A_318 = arith.constant 0 : index
      %get3A_319 = arith.constant 0 : index
      %get3A_320 = vector.load %arg1[%get3A_318, %get3A_319] : memref<1024x1024xbf16, #tpu.memory_space<vmem>>, vector<1024x1024xbf16>
      %get3A_321 = arith.constant 1536 : index
      %get3A_322 = arith.constant 0 : index
      %get3A_323 = vector.load %arg2[%get3A_321, %get3A_322] : memref<2048x1024xf32, #tpu.memory_space<vmem>>, vector<512x1024xf32>
      %convert_element_type3A_324 = arith.truncf %get3A_323 : vector<512x1024xf32> to vector<512x1024xbf16>
      %dot_general3A_325 = arith.constant dense<0.000000e+00> : vector<1024x512xf32>
      %dot_general3A_326 = tpu.matmul %get3A_320, %convert_element_type3A_324, %dot_general3A_325 {dimension_numbers = #tpu.dot_dimension_numbers<[1], [1], [0], [0], [0, 0, 1, 0], [], []>, transpose_lhs_hint = false} : vector<1024x1024xbf16>, vector<512x1024xbf16>, vector<1024x512xf32> -> vector<1024x512xf32>
      %get3A_327 = arith.constant 0 : index
      %get3A_328 = arith.constant 0 : index
      %get3A_329 = arith.constant 0 : index
      %get3A_330 = vector.load %arg3[%get3A_327, %get3A_328, %get3A_329] : memref<1x1x2048xf32, #tpu.memory_space<vmem>>, vector<1x1x2048xf32>
      %get3A_331 = vector.shape_cast %get3A_330 : vector<1x1x2048xf32> to vector<1x2048xf32>
      %slice3A_332 = vector.extract_strided_slice %get3A_331 {offsets = [0, 1536], sizes = [1, 512], strides = [1, 1]} : vector<1x2048xf32> to vector<1x512xf32>
      %add3A_333 = vector.broadcast %slice3A_332 : vector<1x512xf32> to vector<1024x512xf32>
      %add3A_334 = arith.addf %dot_general3A_326, %add3A_333 : vector<1024x512xf32>
      %mul3A_335 = arith.constant 2048 : i32
      %mul3A_336 = arith.muli %arg0, %mul3A_335 : i32
      %add3A_337 = arith.constant 1024 : i32
      %add3A_338 = arith.addi %mul3A_336, %add3A_337 : i32
      %iota3A_339 = tpu.iota {dimensions = array<i32: 1>} : vector<1x512xi32>
      %add3A_340 = vector.broadcast %add3A_338 : i32 to vector<1x512xi32>
      %add3A_341 = arith.addi %add3A_340, %iota3A_339 : vector<1x512xi32>
      %ge3A_342 = arith.constant 2000 : i32
      %ge3A_343 = vector.broadcast %ge3A_342 : i32 to vector<1x512xi32>
      %ge3A_344 = arith.cmpi sge, %add3A_341, %ge3A_343 : vector<1x512xi32>
      %jit3A_345 = arith.constant -1.000000e+30 : f32
      %broadcast_in_dim3A_346 = vector.shape_cast %ge3A_344 : vector<1x512xi1> to vector<1x512xi1>
      %broadcast_in_dim3A_347 = vector.broadcast %broadcast_in_dim3A_346 : vector<1x512xi1> to vector<1024x512xi1>
      %broadcast_in_dim3A_348 = vector.broadcast %jit3A_345 : f32 to vector<1024x512xf32>
      %select_n3A_349 = arith.select %broadcast_in_dim3A_347, %add3A_290, %broadcast_in_dim3A_348 : vector<1024x512xi1>, vector<1024x512xf32>
      %slice3A_350 = vector.extract_strided_slice %select_n3A_349 {offsets = [0, 0], sizes = [1024, 128], strides = [1, 1]} : vector<1024x512xf32> to vector<1024x128xf32>
      %exp23A_351 = math.exp2 %slice3A_350 : vector<1024x128xf32>
      %add3A_352 = arith.addf %add3A_317, %exp23A_351 : vector<1024x128xf32>
      %slice3A_353 = vector.extract_strided_slice %select_n3A_349 {offsets = [0, 128], sizes = [1024, 128], strides = [1, 1]} : vector<1024x512xf32> to vector<1024x128xf32>
      %exp23A_354 = math.exp2 %slice3A_353 : vector<1024x128xf32>
      %add3A_355 = arith.addf %add3A_352, %exp23A_354 : vector<1024x128xf32>
      %slice3A_356 = vector.extract_strided_slice %select_n3A_349 {offsets = [0, 256], sizes = [1024, 128], strides = [1, 1]} : vector<1024x512xf32> to vector<1024x128xf32>
      %exp23A_357 = math.exp2 %slice3A_356 : vector<1024x128xf32>
      %add3A_358 = arith.addf %add3A_355, %exp23A_357 : vector<1024x128xf32>
      %slice3A_359 = vector.extract_strided_slice %select_n3A_349 {offsets = [0, 384], sizes = [1024, 128], strides = [1, 1]} : vector<1024x512xf32> to vector<1024x128xf32>
      %exp23A_360 = math.exp2 %slice3A_359 : vector<1024x128xf32>
      %add3A_361 = arith.addf %add3A_358, %exp23A_360 : vector<1024x128xf32>
      %mul3A_362 = arith.constant 2048 : i32
      %mul3A_363 = arith.muli %arg0, %mul3A_362 : i32
      %add3A_364 = arith.constant 1536 : i32
      %add3A_365 = arith.addi %mul3A_363, %add3A_364 : i32
      %iota3A_366 = tpu.iota {dimensions = array<i32: 1>} : vector<1x512xi32>
      %add3A_367 = vector.broadcast %add3A_365 : i32 to vector<1x512xi32>
      %add3A_368 = arith.addi %add3A_367, %iota3A_366 : vector<1x512xi32>
      %ge3A_369 = arith.constant 2000 : i32
      %ge3A_370 = vector.broadcast %ge3A_369 : i32 to vector<1x512xi32>
      %ge3A_371 = arith.cmpi sge, %add3A_368, %ge3A_370 : vector<1x512xi32>
      %jit3A_372 = arith.constant -1.000000e+30 : f32
      %broadcast_in_dim3A_373 = vector.shape_cast %ge3A_371 : vector<1x512xi1> to vector<1x512xi1>
      %broadcast_in_dim3A_374 = vector.broadcast %broadcast_in_dim3A_373 : vector<1x512xi1> to vector<1024x512xi1>
      %broadcast_in_dim3A_375 = vector.broadcast %jit3A_372 : f32 to vector<1024x512xf32>
      %select_n3A_376 = arith.select %broadcast_in_dim3A_374, %add3A_334, %broadcast_in_dim3A_375 : vector<1024x512xi1>, vector<1024x512xf32>
      %slice3A_377 = vector.extract_strided_slice %select_n3A_376 {offsets = [0, 0], sizes = [1024, 128], strides = [1, 1]} : vector<1024x512xf32> to vector<1024x128xf32>
      %exp23A_378 = math.exp2 %slice3A_377 : vector<1024x128xf32>
      %add3A_379 = arith.addf %add3A_361, %exp23A_378 : vector<1024x128xf32>
      %slice3A_380 = vector.extract_strided_slice %select_n3A_376 {offsets = [0, 128], sizes = [1024, 128], strides = [1, 1]} : vector<1024x512xf32> to vector<1024x128xf32>
      %exp23A_381 = math.exp2 %slice3A_380 : vector<1024x128xf32>
      %add3A_382 = arith.addf %add3A_379, %exp23A_381 : vector<1024x128xf32>
      %slice3A_383 = vector.extract_strided_slice %select_n3A_376 {offsets = [0, 256], sizes = [1024, 128], strides = [1, 1]} : vector<1024x512xf32> to vector<1024x128xf32>
      %exp23A_384 = math.exp2 %slice3A_383 : vector<1024x128xf32>
      %add3A_385 = arith.addf %add3A_382, %exp23A_384 : vector<1024x128xf32>
      %slice3A_386 = vector.extract_strided_slice %select_n3A_376 {offsets = [0, 384], sizes = [1024, 128], strides = [1, 1]} : vector<1024x512xf32> to vector<1024x128xf32>
      %exp23A_387 = math.exp2 %slice3A_386 : vector<1024x128xf32>
      %add3A_388 = arith.addf %add3A_385, %exp23A_387 : vector<1024x128xf32>
      %swap3A_389 = arith.constant 0 : index
      %swap3A_390 = arith.constant 0 : index
      %swap3A_391 = vector.load %arg12[%swap3A_389, %swap3A_390] : memref<1024x128xf32, #tpu.memory_space<vmem>>, vector<1024x128xf32>
      tpu.vector_store %arg12[%swap3A_389, %swap3A_390], %add3A_388 {strides = array<i32>} : memref<1024x128xf32, #tpu.memory_space<vmem>>, vector<1024x128xf32>,
    } else {
    }
    %gt3A = arith.constant 0 : i32
    %gt3A_11 = arith.cmpi sgt, %arg0, %gt3A : i32
    %lt3A_12 = arith.constant 4 : i32
    %lt3A_13 = arith.cmpi slt, %arg0, %lt3A_12 : i32
    %and3A = arith.andi %gt3A_11, %lt3A_13 : i1
    %convert_element_type3A_14 = arith.extui %and3A : i1 to i32
    %cond3A_15 = arith.constant 0 : i32
    %cond3A_16 = arith.cmpi ne, %convert_element_type3A_14, %cond3A_15 : i32
    scf.if %cond3A_16 {
      %get3A = arith.constant 0 : index
      %get3A_40 = arith.constant 0 : index
      %get3A_41 = vector.load %arg12[%get3A, %get3A_40] : memref<1024x128xf32, #tpu.memory_space<vmem>>, vector<1024x128xf32>
      %get3A_42 = arith.constant 0 : index
      %get3A_43 = arith.constant 0 : index
      %get3A_44 = vector.load %arg1[%get3A_42, %get3A_43] : memref<1024x1024xbf16, #tpu.memory_space<vmem>>, vector<1024x1024xbf16>
      %get3A_45 = arith.constant 0 : index
      %get3A_46 = arith.constant 0 : index
      %get3A_47 = vector.load %arg2[%get3A_45, %get3A_46] : memref<2048x1024xf32, #tpu.memory_space<vmem>>, vector<512x1024xf32>
      %convert_element_type3A_48 = arith.truncf %get3A_47 : vector<512x1024xf32> to vector<512x1024xbf16>
      %dot_general3A = arith.constant dense<0.000000e+00> : vector<1024x512xf32>
      %dot_general3A_49 = tpu.matmul %get3A_44, %convert_element_type3A_48, %dot_general3A {dimension_numbers = #tpu.dot_dimension_numbers<[1], [1], [0], [0], [0, 0, 1, 0], [], []>, transpose_lhs_hint = false} : vector<1024x1024xbf16>, vector<512x1024xbf16>, vector<1024x512xf32> -> vector<1024x512xf32>
      %get3A_50 = arith.constant 0 : index
      %get3A_51 = arith.constant 0 : index
      %get3A_52 = arith.constant 0 : index
      %get3A_53 = vector.load %arg3[%get3A_50, %get3A_51, %get3A_52] : memref<1x1x2048xf32, #tpu.memory_space<vmem>>, vector<1x1x2048xf32>
      %get3A_54 = vector.shape_cast %get3A_53 : vector<1x1x2048xf32> to vector<1x2048xf32>
      %slice3A = vector.extract_strided_slice %get3A_54 {offsets = [0, 0], sizes = [1, 512], strides = [1, 1]} : vector<1x2048xf32> to vector<1x512xf32>
      %add3A = vector.broadcast %slice3A : vector<1x512xf32> to vector<1024x512xf32>
      %add3A_55 = arith.addf %dot_general3A_49, %add3A : vector<1024x512xf32>
      %get3A_56 = arith.constant 0 : index
      %get3A_57 = arith.constant 0 : index
      %get3A_58 = vector.load %arg1[%get3A_56, %get3A_57] : memref<1024x1024xbf16, #tpu.memory_space<vmem>>, vector<1024x1024xbf16>
      %get3A_59 = arith.constant 512 : index
      %get3A_60 = arith.constant 0 : index
      %get3A_61 = vector.load %arg2[%get3A_59, %get3A_60] : memref<2048x1024xf32, #tpu.memory_space<vmem>>, vector<512x1024xf32>
      %convert_element_type3A_62 = arith.truncf %get3A_61 : vector<512x1024xf32> to vector<512x1024xbf16>
      %dot_general3A_63 = arith.constant dense<0.000000e+00> : vector<1024x512xf32>
      %dot_general3A_64 = tpu.matmul %get3A_58, %convert_element_type3A_62, %dot_general3A_63 {dimension_numbers = #tpu.dot_dimension_numbers<[1], [1], [0], [0], [0, 0, 1, 0], [], []>, transpose_lhs_hint = false} : vector<1024x1024xbf16>, vector<512x1024xbf16>, vector<1024x512xf32> -> vector<1024x512xf32>
      %get3A_65 = arith.constant 0 : index
      %get3A_66 = arith.constant 0 : index
      %get3A_67 = arith.constant 0 : index
      %get3A_68 = vector.load %arg3[%get3A_65, %get3A_66, %get3A_67] : memref<1x1x2048xf32, #tpu.memory_space<vmem>>, vector<1x1x2048xf32>
      %get3A_69 = vector.shape_cast %get3A_68 : vector<1x1x2048xf32> to vector<1x2048xf32>
      %slice3A_70 = vector.extract_strided_slice %get3A_69 {offsets = [0, 512], sizes = [1, 512], strides = [1, 1]} : vector<1x2048xf32> to vector<1x512xf32>
      %add3A_71 = vector.broadcast %slice3A_70 : vector<1x512xf32> to vector<1024x512xf32>
      %add3A_72 = arith.addf %dot_general3A_64, %add3A_71 : vector<1024x512xf32>
      %slice3A_73 = vector.extract_strided_slice %add3A_55 {offsets = [0, 0], sizes = [1024, 128], strides = [1, 1]} : vector<1024x512xf32> to vector<1024x128xf32>
      %exp23A = math.exp2 %slice3A_73 : vector<1024x128xf32>
      %add3A_74 = arith.addf %get3A_41, %exp23A : vector<1024x128xf32>
      %slice3A_75 = vector.extract_strided_slice %add3A_55 {offsets = [0, 128], sizes = [1024, 128], strides = [1, 1]} : vector<1024x512xf32> to vector<1024x128xf32>
      %exp23A_76 = math.exp2 %slice3A_75 : vector<1024x128xf32>
      %add3A_77 = arith.addf %add3A_74, %exp23A_76 : vector<1024x128xf32>
      %slice3A_78 = vector.extract_strided_slice %add3A_55 {offsets = [0, 256], sizes = [1024, 128], strides = [1, 1]} : vector<1024x512xf32> to vector<1024x128xf32>
      %exp23A_79 = math.exp2 %slice3A_78 : vector<1024x128xf32>
      %add3A_80 = arith.addf %add3A_77, %exp23A_79 : vector<1024x128xf32>
      %slice3A_81 = vector.extract_strided_slice %add3A_55 {offsets = [0, 384], sizes = [1024, 128], strides = [1, 1]} : vector<1024x512xf32> to vector<1024x128xf32>
      %exp23A_82 = math.exp2 %slice3A_81 : vector<1024x128xf32>
      %add3A_83 = arith.addf %add3A_80, %exp23A_82 : vector<1024x128xf32>
      %get3A_84 = arith.constant 0 : index
      %get3A_85 = arith.constant 0 : index
      %get3A_86 = vector.load %arg1[%get3A_84, %get3A_85] : memref<1024x1024xbf16, #tpu.memory_space<vmem>>, vector<1024x1024xbf16>
      %get3A_87 = arith.constant 1024 : index
      %get3A_88 = arith.constant 0 : index
      %get3A_89 = vector.load %arg2[%get3A_87, %get3A_88] : memref<2048x1024xf32, #tpu.memory_space<vmem>>, vector<512x1024xf32>
      %convert_element_type3A_90 = arith.truncf %get3A_89 : vector<512x1024xf32> to vector<512x1024xbf16>
      %dot_general3A_91 = arith.constant dense<0.000000e+00> : vector<1024x512xf32>
      %dot_general3A_92 = tpu.matmul %get3A_86, %convert_element_type3A_90, %dot_general3A_91 {dimension_numbers = #tpu.dot_dimension_numbers<[1], [1], [0], [0], [0, 0, 1, 0], [], []>, transpose_lhs_hint = false} : vector<1024x1024xbf16>, vector<512x1024xbf16>, vector<1024x512xf32> -> vector<1024x512xf32>
      %get3A_93 = arith.constant 0 : index
      %get3A_94 = arith.constant 0 : index
      %get3A_95 = arith.constant 0 : index
      %get3A_96 = vector.load %arg3[%get3A_93, %get3A_94, %get3A_95] : memref<1x1x2048xf32, #tpu.memory_space<vmem>>, vector<1x1x2048xf32>
      %get3A_97 = vector.shape_cast %get3A_96 : vector<1x1x2048xf32> to vector<1x2048xf32>
      %slice3A_98 = vector.extract_strided_slice %get3A_97 {offsets = [0, 1024], sizes = [1, 512], strides = [1, 1]} : vector<1x2048xf32> to vector<1x512xf32>
      %add3A_99 = vector.broadcast %slice3A_98 : vector<1x512xf32> to vector<1024x512xf32>
      %add3A_100 = arith.addf %dot_general3A_92, %add3A_99 : vector<1024x512xf32>
      %slice3A_101 = vector.extract_strided_slice %add3A_72 {offsets = [0, 0], sizes = [1024, 128], strides = [1, 1]} : vector<1024x512xf32> to vector<1024x128xf32>
      %exp23A_102 = math.exp2 %slice3A_101 : vector<1024x128xf32>
      %add3A_103 = arith.addf %add3A_83, %exp23A_102 : vector<1024x128xf32>
      %slice3A_104 = vector.extract_strided_slice %add3A_72 {offsets = [0, 128], sizes = [1024, 128], strides = [1, 1]} : vector<1024x512xf32> to vector<1024x128xf32>
      %exp23A_105 = math.exp2 %slice3A_104 : vector<1024x128xf32>
      %add3A_106 = arith.addf %add3A_103, %exp23A_105 : vector<1024x128xf32>
      %slice3A_107 = vector.extract_strided_slice %add3A_72 {offsets = [0, 256], sizes = [1024, 128], strides = [1, 1]} : vector<1024x512xf32> to vector<1024x128xf32>
      %exp23A_108 = math.exp2 %slice3A_107 : vector<1024x128xf32>
      %add3A_109 = arith.addf %add3A_106, %exp23A_108 : vector<1024x128xf32>
      %slice3A_110 = vector.extract_strided_slice %add3A_72 {offsets = [0, 384], sizes = [1024, 128], strides = [1, 1]} : vector<1024x512xf32> to vector<1024x128xf32>
      %exp23A_111 = math.exp2 %slice3A_110 : vector<1024x128xf32>
      %add3A_112 = arith.addf %add3A_109, %exp23A_111 : vector<1024x128xf32>
      %get3A_113 = arith.constant 0 : index
      %get3A_114 = arith.constant 0 : index
      %get3A_115 = vector.load %arg1[%get3A_113, %get3A_114] : memref<1024x1024xbf16, #tpu.memory_space<vmem>>, vector<1024x1024xbf16>
      %get3A_116 = arith.constant 1536 : index
      %get3A_117 = arith.constant 0 : index
      %get3A_118 = vector.load %arg2[%get3A_116, %get3A_117] : memref<2048x1024xf32, #tpu.memory_space<vmem>>, vector<512x1024xf32>
      %convert_element_type3A_119 = arith.truncf %get3A_118 : vector<512x1024xf32> to vector<512x1024xbf16>
      %dot_general3A_120 = arith.constant dense<0.000000e+00> : vector<1024x512xf32>
      %dot_general3A_121 = tpu.matmul %get3A_115, %convert_element_type3A_119, %dot_general3A_120 {dimension_numbers = #tpu.dot_dimension_numbers<[1], [1], [0], [0], [0, 0, 1, 0], [], []>, transpose_lhs_hint = false} : vector<1024x1024xbf16>, vector<512x1024xbf16>, vector<1024x512xf32> -> vector<1024x512xf32>
      %get3A_122 = arith.constant 0 : index
      %get3A_123 = arith.constant 0 : index
      %get3A_124 = arith.constant 0 : index
      %get3A_125 = vector.load %arg3[%get3A_122, %get3A_123, %get3A_124] : memref<1x1x2048xf32, #tpu.memory_space<vmem>>, vector<1x1x2048xf32>
      %get3A_126 = vector.shape_cast %get3A_125 : vector<1x1x2048xf32> to vector<1x2048xf32>
      %slice3A_127 = vector.extract_strided_slice %get3A_126 {offsets = [0, 1536], sizes = [1, 512], strides = [1, 1]} : vector<1x2048xf32> to vector<1x512xf32>
      %add3A_128 = vector.broadcast %slice3A_127 : vector<1x512xf32> to vector<1024x512xf32>
      %add3A_129 = arith.addf %dot_general3A_121, %add3A_128 : vector<1024x512xf32>
      %slice3A_130 = vector.extract_strided_slice %add3A_100 {offsets = [0, 0], sizes = [1024, 128], strides = [1, 1]} : vector<1024x512xf32> to vector<1024x128xf32>
      %exp23A_131 = math.exp2 %slice3A_130 : vector<1024x128xf32>
      %add3A_132 = arith.addf %add3A_112, %exp23A_131 : vector<1024x128xf32>
      %slice3A_133 = vector.extract_strided_slice %add3A_100 {offsets = [0, 128], sizes = [1024, 128], strides = [1, 1]} : vector<1024x512xf32> to vector<1024x128xf32>
      %exp23A_134 = math.exp2 %slice3A_133 : vector<1024x128xf32>
      %add3A_135 = arith.addf %add3A_132, %exp23A_134 : vector<1024x128xf32>
      %slice3A_136 = vector.extract_strided_slice %add3A_100 {offsets = [0, 256], sizes = [1024, 128], strides = [1, 1]} : vector<1024x512xf32> to vector<1024x128xf32>
      %exp23A_137 = math.exp2 %slice3A_136 : vector<1024x128xf32>
      %add3A_138 = arith.addf %add3A_135, %exp23A_137 : vector<1024x128xf32>
      %slice3A_139 = vector.extract_strided_slice %add3A_100 {offsets = [0, 384], sizes = [1024, 128], strides = [1, 1]} : vector<1024x512xf32> to vector<1024x128xf32>
      %exp23A_140 = math.exp2 %slice3A_139 : vector<1024x128xf32>
      %add3A_141 = arith.addf %add3A_138, %exp23A_140 : vector<1024x128xf32>
      %slice3A_142 = vector.extract_strided_slice %add3A_129 {offsets = [0, 0], sizes = [1024, 128], strides = [1, 1]} : vector<1024x512xf32> to vector<1024x128xf32>
      %exp23A_143 = math.exp2 %slice3A_142 : vector<1024x128xf32>
      %add3A_144 = arith.addf %add3A_141, %exp23A_143 : vector<1024x128xf32>
      %slice3A_145 = vector.extract_strided_slice %add3A_129 {offsets = [0, 128], sizes = [1024, 128], strides = [1, 1]} : vector<1024x512xf32> to vector<1024x128xf32>
      %exp23A_146 = math.exp2 %slice3A_145 : vector<1024x128xf32>
      %add3A_147 = arith.addf %add3A_144, %exp23A_146 : vector<1024x128xf32>
      %slice3A_148 = vector.extract_strided_slice %add3A_129 {offsets = [0, 256], sizes = [1024, 128], strides = [1, 1]} : vector<1024x512xf32> to vector<1024x128xf32>
      %exp23A_149 = math.exp2 %slice3A_148 : vector<1024x128xf32>
      %add3A_150 = arith.addf %add3A_147, %exp23A_149 : vector<1024x128xf32>
      %slice3A_151 = vector.extract_strided_slice %add3A_129 {offsets = [0, 384], sizes = [1024, 128], strides = [1, 1]} : vector<1024x512xf32> to vector<1024x128xf32>
      %exp23A_152 = math.exp2 %slice3A_151 : vector<1024x128xf32>
      %add3A_153 = arith.addf %add3A_150, %exp23A_152 : vector<1024x128xf32>
      %swap3A = arith.constant 0 : index
      %swap3A_154 = arith.constant 0 : index
      %swap3A_155 = vector.load %arg12[%swap3A, %swap3A_154] : memref<1024x128xf32, #tpu.memory_space<vmem>>, vector<1024x128xf32>
      tpu.vector_store %arg12[%swap3A, %swap3A_154], %add3A_153 {strides = array<i32>} : memref<1024x128xf32, #tpu.memory_space<vmem>>, vector<1024x128xf32>,
    } else {
    }
    %eq3A_17 = arith.constant 4 : i32
    %eq3A_18 = arith.cmpi eq, %arg0, %eq3A_17 : i32
    %convert_element_type3A_19 = arith.extui %eq3A_18 : i1 to i32
    %cond3A_20 = arith.constant 0 : i32
    %cond3A_21 = arith.cmpi ne, %convert_element_type3A_19, %cond3A_20 : i32
    scf.if %cond3A_21 {
      %get3A = arith.constant 0 : index
      %get3A_40 = arith.constant 0 : index
      %get3A_41 = vector.load %arg12[%get3A, %get3A_40] : memref<1024x128xf32, #tpu.memory_space<vmem>>, vector<1024x128xf32>
      %get3A_42 = arith.constant 0 : index
      %get3A_43 = arith.constant 0 : index
      %get3A_44 = vector.load %arg1[%get3A_42, %get3A_43] : memref<1024x1024xbf16, #tpu.memory_space<vmem>>, vector<1024x1024xbf16>
      %get3A_45 = arith.constant 0 : index
      %get3A_46 = arith.constant 0 : index
      %get3A_47 = vector.load %arg2[%get3A_45, %get3A_46] : memref<2048x1024xf32, #tpu.memory_space<vmem>>, vector<512x1024xf32>
      %convert_element_type3A_48 = arith.truncf %get3A_47 : vector<512x1024xf32> to vector<512x1024xbf16>
      %dot_general3A = arith.constant dense<0.000000e+00> : vector<1024x512xf32>
      %dot_general3A_49 = tpu.matmul %get3A_44, %convert_element_type3A_48, %dot_general3A {dimension_numbers = #tpu.dot_dimension_numbers<[1], [1], [0], [0], [0, 0, 1, 0], [], []>, transpose_lhs_hint = false} : vector<1024x1024xbf16>, vector<512x1024xbf16>, vector<1024x512xf32> -> vector<1024x512xf32>
      %get3A_50 = arith.constant 0 : index
      %get3A_51 = arith.constant 0 : index
      %get3A_52 = arith.constant 0 : index
      %get3A_53 = vector.load %arg3[%get3A_50, %get3A_51, %get3A_52] : memref<1x1x2048xf32, #tpu.memory_space<vmem>>, vector<1x1x2048xf32>
      %get3A_54 = vector.shape_cast %get3A_53 : vector<1x1x2048xf32> to vector<1x2048xf32>
      %slice3A = vector.extract_strided_slice %get3A_54 {offsets = [0, 0], sizes = [1, 512], strides = [1, 1]} : vector<1x2048xf32> to vector<1x512xf32>
      %add3A = vector.broadcast %slice3A : vector<1x512xf32> to vector<1024x512xf32>
      %add3A_55 = arith.addf %dot_general3A_49, %add3A : vector<1024x512xf32>
      %get3A_56 = arith.constant 0 : index
      %get3A_57 = arith.constant 0 : index
      %get3A_58 = vector.load %arg1[%get3A_56, %get3A_57] : memref<1024x1024xbf16, #tpu.memory_space<vmem>>, vector<1024x1024xbf16>
      %get3A_59 = arith.constant 512 : index
      %get3A_60 = arith.constant 0 : index
      %get3A_61 = vector.load %arg2[%get3A_59, %get3A_60] : memref<2048x1024xf32, #tpu.memory_space<vmem>>, vector<512x1024xf32>
      %convert_element_type3A_62 = arith.truncf %get3A_61 : vector<512x1024xf32> to vector<512x1024xbf16>
      %dot_general3A_63 = arith.constant dense<0.000000e+00> : vector<1024x512xf32>
      %dot_general3A_64 = tpu.matmul %get3A_58, %convert_element_type3A_62, %dot_general3A_63 {dimension_numbers = #tpu.dot_dimension_numbers<[1], [1], [0], [0], [0, 0, 1, 0], [], []>, transpose_lhs_hint = false} : vector<1024x1024xbf16>, vector<512x1024xbf16>, vector<1024x512xf32> -> vector<1024x512xf32>
      %get3A_65 = arith.constant 0 : index
      %get3A_66 = arith.constant 0 : index
      %get3A_67 = arith.constant 0 : index
      %get3A_68 = vector.load %arg3[%get3A_65, %get3A_66, %get3A_67] : memref<1x1x2048xf32, #tpu.memory_space<vmem>>, vector<1x1x2048xf32>
      %get3A_69 = vector.shape_cast %get3A_68 : vector<1x1x2048xf32> to vector<1x2048xf32>
      %slice3A_70 = vector.extract_strided_slice %get3A_69 {offsets = [0, 512], sizes = [1, 512], strides = [1, 1]} : vector<1x2048xf32> to vector<1x512xf32>
      %add3A_71 = vector.broadcast %slice3A_70 : vector<1x512xf32> to vector<1024x512xf32>
      %add3A_72 = arith.addf %dot_general3A_64, %add3A_71 : vector<1024x512xf32>
      %mul3A = arith.constant 2048 : i32
      %mul3A_73 = arith.muli %arg0, %mul3A : i32
      %add3A_74 = arith.constant 0 : i32
      %add3A_75 = arith.addi %mul3A_73, %add3A_74 : i32
      %iota3A = tpu.iota {dimensions = array<i32: 1>} : vector<1x512xi32>
      %add3A_76 = vector.broadcast %add3A_75 : i32 to vector<1x512xi32>
      %add3A_77 = arith.addi %add3A_76, %iota3A : vector<1x512xi32>
      %lt3A_78 = arith.constant 10000 : i32
      %lt3A_79 = vector.broadcast %lt3A_78 : i32 to vector<1x512xi32>
      %lt3A_80 = arith.cmpi slt, %add3A_77, %lt3A_79 : vector<1x512xi32>
      %jit3A = arith.constant -1.000000e+30 : f32
      %broadcast_in_dim3A = vector.shape_cast %lt3A_80 : vector<1x512xi1> to vector<1x512xi1>
      %broadcast_in_dim3A_81 = vector.broadcast %broadcast_in_dim3A : vector<1x512xi1> to vector<1024x512xi1>
      %broadcast_in_dim3A_82 = vector.broadcast %jit3A : f32 to vector<1024x512xf32>
      %select_n3A = arith.select %broadcast_in_dim3A_81, %add3A_55, %broadcast_in_dim3A_82 : vector<1024x512xi1>, vector<1024x512xf32>
      %slice3A_83 = vector.extract_strided_slice %select_n3A {offsets = [0, 0], sizes = [1024, 128], strides = [1, 1]} : vector<1024x512xf32> to vector<1024x128xf32>
      %exp23A = math.exp2 %slice3A_83 : vector<1024x128xf32>
      %add3A_84 = arith.addf %get3A_41, %exp23A : vector<1024x128xf32>
      %slice3A_85 = vector.extract_strided_slice %select_n3A {offsets = [0, 128], sizes = [1024, 128], strides = [1, 1]} : vector<1024x512xf32> to vector<1024x128xf32>
      %exp23A_86 = math.exp2 %slice3A_85 : vector<1024x128xf32>
      %add3A_87 = arith.addf %add3A_84, %exp23A_86 : vector<1024x128xf32>
      %slice3A_88 = vector.extract_strided_slice %select_n3A {offsets = [0, 256], sizes = [1024, 128], strides = [1, 1]} : vector<1024x512xf32> to vector<1024x128xf32>
      %exp23A_89 = math.exp2 %slice3A_88 : vector<1024x128xf32>
      %add3A_90 = arith.addf %add3A_87, %exp23A_89 : vector<1024x128xf32>
      %slice3A_91 = vector.extract_strided_slice %select_n3A {offsets = [0, 384], sizes = [1024, 128], strides = [1, 1]} : vector<1024x512xf32> to vector<1024x128xf32>
      %exp23A_92 = math.exp2 %slice3A_91 : vector<1024x128xf32>
      %add3A_93 = arith.addf %add3A_90, %exp23A_92 : vector<1024x128xf32>
      %get3A_94 = arith.constant 0 : index
      %get3A_95 = arith.constant 0 : index
      %get3A_96 = vector.load %arg1[%get3A_94, %get3A_95] : memref<1024x1024xbf16, #tpu.memory_space<vmem>>, vector<1024x1024xbf16>
      %get3A_97 = arith.constant 1024 : index
      %get3A_98 = arith.constant 0 : index
      %get3A_99 = vector.load %arg2[%get3A_97, %get3A_98] : memref<2048x1024xf32, #tpu.memory_space<vmem>>, vector<512x1024xf32>
      %convert_element_type3A_100 = arith.truncf %get3A_99 : vector<512x1024xf32> to vector<512x1024xbf16>
      %dot_general3A_101 = arith.constant dense<0.000000e+00> : vector<1024x512xf32>
      %dot_general3A_102 = tpu.matmul %get3A_96, %convert_element_type3A_100, %dot_general3A_101 {dimension_numbers = #tpu.dot_dimension_numbers<[1], [1], [0], [0], [0, 0, 1, 0], [], []>, transpose_lhs_hint = false} : vector<1024x1024xbf16>, vector<512x1024xbf16>, vector<1024x512xf32> -> vector<1024x512xf32>
      %get3A_103 = arith.constant 0 : index
      %get3A_104 = arith.constant 0 : index
      %get3A_105 = arith.constant 0 : index
      %get3A_106 = vector.load %arg3[%get3A_103, %get3A_104, %get3A_105] : memref<1x1x2048xf32, #tpu.memory_space<vmem>>, vector<1x1x2048xf32>
      %get3A_107 = vector.shape_cast %get3A_106 : vector<1x1x2048xf32> to vector<1x2048xf32>
      %slice3A_108 = vector.extract_strided_slice %get3A_107 {offsets = [0, 1024], sizes = [1, 512], strides = [1, 1]} : vector<1x2048xf32> to vector<1x512xf32>
      %add3A_109 = vector.broadcast %slice3A_108 : vector<1x512xf32> to vector<1024x512xf32>
      %add3A_110 = arith.addf %dot_general3A_102, %add3A_109 : vector<1024x512xf32>
      %mul3A_111 = arith.constant 2048 : i32
      %mul3A_112 = arith.muli %arg0, %mul3A_111 : i32
      %add3A_113 = arith.constant 512 : i32
      %add3A_114 = arith.addi %mul3A_112, %add3A_113 : i32
      %iota3A_115 = tpu.iota {dimensions = array<i32: 1>} : vector<1x512xi32>
      %add3A_116 = vector.broadcast %add3A_114 : i32 to vector<1x512xi32>
      %add3A_117 = arith.addi %add3A_116, %iota3A_115 : vector<1x512xi32>
      %lt3A_118 = arith.constant 10000 : i32
      %lt3A_119 = vector.broadcast %lt3A_118 : i32 to vector<1x512xi32>
      %lt3A_120 = arith.cmpi slt, %add3A_117, %lt3A_119 : vector<1x512xi32>
      %jit3A_121 = arith.constant -1.000000e+30 : f32
      %broadcast_in_dim3A_122 = vector.shape_cast %lt3A_120 : vector<1x512xi1> to vector<1x512xi1>
      %broadcast_in_dim3A_123 = vector.broadcast %broadcast_in_dim3A_122 : vector<1x512xi1> to vector<1024x512xi1>
      %broadcast_in_dim3A_124 = vector.broadcast %jit3A_121 : f32 to vector<1024x512xf32>
      %select_n3A_125 = arith.select %broadcast_in_dim3A_123, %add3A_72, %broadcast_in_dim3A_124 : vector<1024x512xi1>, vector<1024x512xf32>
      %slice3A_126 = vector.extract_strided_slice %select_n3A_125 {offsets = [0, 0], sizes = [1024, 128], strides = [1, 1]} : vector<1024x512xf32> to vector<1024x128xf32>
      %exp23A_127 = math.exp2 %slice3A_126 : vector<1024x128xf32>
      %add3A_128 = arith.addf %add3A_93, %exp23A_127 : vector<1024x128xf32>
      %slice3A_129 = vector.extract_strided_slice %select_n3A_125 {offsets = [0, 128], sizes = [1024, 128], strides = [1, 1]} : vector<1024x512xf32> to vector<1024x128xf32>
      %exp23A_130 = math.exp2 %slice3A_129 : vector<1024x128xf32>
      %add3A_131 = arith.addf %add3A_128, %exp23A_130 : vector<1024x128xf32>
      %slice3A_132 = vector.extract_strided_slice %select_n3A_125 {offsets = [0, 256], sizes = [1024, 128], strides = [1, 1]} : vector<1024x512xf32> to vector<1024x128xf32>
      %exp23A_133 = math.exp2 %slice3A_132 : vector<1024x128xf32>
      %add3A_134 = arith.addf %add3A_131, %exp23A_133 : vector<1024x128xf32>
      %slice3A_135 = vector.extract_strided_slice %select_n3A_125 {offsets = [0, 384], sizes = [1024, 128], strides = [1, 1]} : vector<1024x512xf32> to vector<1024x128xf32>
      %exp23A_136 = math.exp2 %slice3A_135 : vector<1024x128xf32>
      %add3A_137 = arith.addf %add3A_134, %exp23A_136 : vector<1024x128xf32>
      %get3A_138 = arith.constant 0 : index
      %get3A_139 = arith.constant 0 : index
      %get3A_140 = vector.load %arg1[%get3A_138, %get3A_139] : memref<1024x1024xbf16, #tpu.memory_space<vmem>>, vector<1024x1024xbf16>
      %get3A_141 = arith.constant 1536 : index
      %get3A_142 = arith.constant 0 : index
      %get3A_143 = vector.load %arg2[%get3A_141, %get3A_142] : memref<2048x1024xf32, #tpu.memory_space<vmem>>, vector<512x1024xf32>
      %convert_element_type3A_144 = arith.truncf %get3A_143 : vector<512x1024xf32> to vector<512x1024xbf16>
      %dot_general3A_145 = arith.constant dense<0.000000e+00> : vector<1024x512xf32>
      %dot_general3A_146 = tpu.matmul %get3A_140, %convert_element_type3A_144, %dot_general3A_145 {dimension_numbers = #tpu.dot_dimension_numbers<[1], [1], [0], [0], [0, 0, 1, 0], [], []>, transpose_lhs_hint = false} : vector<1024x1024xbf16>, vector<512x1024xbf16>, vector<1024x512xf32> -> vector<1024x512xf32>
      %get3A_147 = arith.constant 0 : index
      %get3A_148 = arith.constant 0 : index
      %get3A_149 = arith.constant 0 : index
      %get3A_150 = vector.load %arg3[%get3A_147, %get3A_148, %get3A_149] : memref<1x1x2048xf32, #tpu.memory_space<vmem>>, vector<1x1x2048xf32>
      %get3A_151 = vector.shape_cast %get3A_150 : vector<1x1x2048xf32> to vector<1x2048xf32>
      %slice3A_152 = vector.extract_strided_slice %get3A_151 {offsets = [0, 1536], sizes = [1, 512], strides = [1, 1]} : vector<1x2048xf32> to vector<1x512xf32>
      %add3A_153 = vector.broadcast %slice3A_152 : vector<1x512xf32> to vector<1024x512xf32>
      %add3A_154 = arith.addf %dot_general3A_146, %add3A_153 : vector<1024x512xf32>
      %mul3A_155 = arith.constant 2048 : i32
      %mul3A_156 = arith.muli %arg0, %mul3A_155 : i32
      %add3A_157 = arith.constant 1024 : i32
      %add3A_158 = arith.addi %mul3A_156, %add3A_157 : i32
      %iota3A_159 = tpu.iota {dimensions = array<i32: 1>} : vector<1x512xi32>
      %add3A_160 = vector.broadcast %add3A_158 : i32 to vector<1x512xi32>
      %add3A_161 = arith.addi %add3A_160, %iota3A_159 : vector<1x512xi32>
      %lt3A_162 = arith.constant 10000 : i32
      %lt3A_163 = vector.broadcast %lt3A_162 : i32 to vector<1x512xi32>
      %lt3A_164 = arith.cmpi slt, %add3A_161, %lt3A_163 : vector<1x512xi32>
      %jit3A_165 = arith.constant -1.000000e+30 : f32
      %broadcast_in_dim3A_166 = vector.shape_cast %lt3A_164 : vector<1x512xi1> to vector<1x512xi1>
      %broadcast_in_dim3A_167 = vector.broadcast %broadcast_in_dim3A_166 : vector<1x512xi1> to vector<1024x512xi1>
      %broadcast_in_dim3A_168 = vector.broadcast %jit3A_165 : f32 to vector<1024x512xf32>
      %select_n3A_169 = arith.select %broadcast_in_dim3A_167, %add3A_110, %broadcast_in_dim3A_168 : vector<1024x512xi1>, vector<1024x512xf32>
      %slice3A_170 = vector.extract_strided_slice %select_n3A_169 {offsets = [0, 0], sizes = [1024, 128], strides = [1, 1]} : vector<1024x512xf32> to vector<1024x128xf32>
      %exp23A_171 = math.exp2 %slice3A_170 : vector<1024x128xf32>
      %add3A_172 = arith.addf %add3A_137, %exp23A_171 : vector<1024x128xf32>
      %slice3A_173 = vector.extract_strided_slice %select_n3A_169 {offsets = [0, 128], sizes = [1024, 128], strides = [1, 1]} : vector<1024x512xf32> to vector<1024x128xf32>
      %exp23A_174 = math.exp2 %slice3A_173 : vector<1024x128xf32>
      %add3A_175 = arith.addf %add3A_172, %exp23A_174 : vector<1024x128xf32>
      %slice3A_176 = vector.extract_strided_slice %select_n3A_169 {offsets = [0, 256], sizes = [1024, 128], strides = [1, 1]} : vector<1024x512xf32> to vector<1024x128xf32>
      %exp23A_177 = math.exp2 %slice3A_176 : vector<1024x128xf32>
      %add3A_178 = arith.addf %add3A_175, %exp23A_177 : vector<1024x128xf32>
      %slice3A_179 = vector.extract_strided_slice %select_n3A_169 {offsets = [0, 384], sizes = [1024, 128], strides = [1, 1]} : vector<1024x512xf32> to vector<1024x128xf32>
      %exp23A_180 = math.exp2 %slice3A_179 : vector<1024x128xf32>
      %add3A_181 = arith.addf %add3A_178, %exp23A_180 : vector<1024x128xf32>
      %mul3A_182 = arith.constant 2048 : i32
      %mul3A_183 = arith.muli %arg0, %mul3A_182 : i32
      %add3A_184 = arith.constant 1536 : i32
      %add3A_185 = arith.addi %mul3A_183, %add3A_184 : i32
      %iota3A_186 = tpu.iota {dimensions = array<i32: 1>} : vector<1x512xi32>
      %add3A_187 = vector.broadcast %add3A_185 : i32 to vector<1x512xi32>
      %add3A_188 = arith.addi %add3A_187, %iota3A_186 : vector<1x512xi32>
      %lt3A_189 = arith.constant 10000 : i32
      %lt3A_190 = vector.broadcast %lt3A_189 : i32 to vector<1x512xi32>
      %lt3A_191 = arith.cmpi slt, %add3A_188, %lt3A_190 : vector<1x512xi32>
      %jit3A_192 = arith.constant -1.000000e+30 : f32
      %broadcast_in_dim3A_193 = vector.shape_cast %lt3A_191 : vector<1x512xi1> to vector<1x512xi1>
      %broadcast_in_dim3A_194 = vector.broadcast %broadcast_in_dim3A_193 : vector<1x512xi1> to vector<1024x512xi1>
      %broadcast_in_dim3A_195 = vector.broadcast %jit3A_192 : f32 to vector<1024x512xf32>
      %select_n3A_196 = arith.select %broadcast_in_dim3A_194, %add3A_154, %broadcast_in_dim3A_195 : vector<1024x512xi1>, vector<1024x512xf32>
      %slice3A_197 = vector.extract_strided_slice %select_n3A_196 {offsets = [0, 0], sizes = [1024, 128], strides = [1, 1]} : vector<1024x512xf32> to vector<1024x128xf32>
      %exp23A_198 = math.exp2 %slice3A_197 : vector<1024x128xf32>
      %add3A_199 = arith.addf %add3A_181, %exp23A_198 : vector<1024x128xf32>
      %slice3A_200 = vector.extract_strided_slice %select_n3A_196 {offsets = [0, 128], sizes = [1024, 128], strides = [1, 1]} : vector<1024x512xf32> to vector<1024x128xf32>
      %exp23A_201 = math.exp2 %slice3A_200 : vector<1024x128xf32>
      %add3A_202 = arith.addf %add3A_199, %exp23A_201 : vector<1024x128xf32>
      %slice3A_203 = vector.extract_strided_slice %select_n3A_196 {offsets = [0, 256], sizes = [1024, 128], strides = [1, 1]} : vector<1024x512xf32> to vector<1024x128xf32>
      %exp23A_204 = math.exp2 %slice3A_203 : vector<1024x128xf32>
      %add3A_205 = arith.addf %add3A_202, %exp23A_204 : vector<1024x128xf32>
      %slice3A_206 = vector.extract_strided_slice %select_n3A_196 {offsets = [0, 384], sizes = [1024, 128], strides = [1, 1]} : vector<1024x512xf32> to vector<1024x128xf32>
      %exp23A_207 = math.exp2 %slice3A_206 : vector<1024x128xf32>
      %add3A_208 = arith.addf %add3A_205, %exp23A_207 : vector<1024x128xf32>
      %swap3A = arith.constant 0 : index
      %swap3A_209 = arith.constant 0 : index
      %swap3A_210 = vector.load %arg12[%swap3A, %swap3A_209] : memref<1024x128xf32, #tpu.memory_space<vmem>>, vector<1024x128xf32>
      tpu.vector_store %arg12[%swap3A, %swap3A_209], %add3A_208 {strides = array<i32>} : memref<1024x128xf32, #tpu.memory_space<vmem>>, vector<1024x128xf32>,
      %get3A_211 = arith.constant 0 : index
      %get3A_212 = arith.constant 0 : index
      %get3A_213 = vector.load %arg13[%get3A_211, %get3A_212] : memref<1024x128xf32, #tpu.memory_space<vmem>>, vector<1024x128xf32>
      %get3A_214 = arith.constant 0 : index
      %get3A_215 = arith.constant 0 : index
      %get3A_216 = vector.load %arg1[%get3A_214, %get3A_215] : memref<1024x1024xbf16, #tpu.memory_space<vmem>>, vector<1024x1024xbf16>
      %get3A_217 = arith.constant 0 : index
      %get3A_218 = arith.constant 0 : index
      %get3A_219 = vector.load %arg2[%get3A_217, %get3A_218] : memref<2048x1024xf32, #tpu.memory_space<vmem>>, vector<512x1024xf32>
      %convert_element_type3A_220 = arith.truncf %get3A_219 : vector<512x1024xf32> to vector<512x1024xbf16>
      %dot_general3A_221 = arith.constant dense<0.000000e+00> : vector<1024x512xf32>
      %dot_general3A_222 = tpu.matmul %get3A_216, %convert_element_type3A_220, %dot_general3A_221 {dimension_numbers = #tpu.dot_dimension_numbers<[1], [1], [0], [0], [0, 0, 1, 0], [], []>, transpose_lhs_hint = false} : vector<1024x1024xbf16>, vector<512x1024xbf16>, vector<1024x512xf32> -> vector<1024x512xf32>
      %get3A_223 = arith.constant 0 : index
      %get3A_224 = arith.constant 0 : index
      %get3A_225 = arith.constant 0 : index
      %get3A_226 = vector.load %arg3[%get3A_223, %get3A_224, %get3A_225] : memref<1x1x2048xf32, #tpu.memory_space<vmem>>, vector<1x1x2048xf32>
      %get3A_227 = vector.shape_cast %get3A_226 : vector<1x1x2048xf32> to vector<1x2048xf32>
      %slice3A_228 = vector.extract_strided_slice %get3A_227 {offsets = [0, 0], sizes = [1, 512], strides = [1, 1]} : vector<1x2048xf32> to vector<1x512xf32>
      %add3A_229 = vector.broadcast %slice3A_228 : vector<1x512xf32> to vector<1024x512xf32>
      %add3A_230 = arith.addf %dot_general3A_222, %add3A_229 : vector<1024x512xf32>
      %get3A_231 = arith.constant 0 : index
      %get3A_232 = arith.constant 0 : index
      %get3A_233 = vector.load %arg1[%get3A_231, %get3A_232] : memref<1024x1024xbf16, #tpu.memory_space<vmem>>, vector<1024x1024xbf16>
      %get3A_234 = arith.constant 512 : index
      %get3A_235 = arith.constant 0 : index
      %get3A_236 = vector.load %arg2[%get3A_234, %get3A_235] : memref<2048x1024xf32, #tpu.memory_space<vmem>>, vector<512x1024xf32>
      %convert_element_type3A_237 = arith.truncf %get3A_236 : vector<512x1024xf32> to vector<512x1024xbf16>
      %dot_general3A_238 = arith.constant dense<0.000000e+00> : vector<1024x512xf32>
      %dot_general3A_239 = tpu.matmul %get3A_233, %convert_element_type3A_237, %dot_general3A_238 {dimension_numbers = #tpu.dot_dimension_numbers<[1], [1], [0], [0], [0, 0, 1, 0], [], []>, transpose_lhs_hint = false} : vector<1024x1024xbf16>, vector<512x1024xbf16>, vector<1024x512xf32> -> vector<1024x512xf32>
      %get3A_240 = arith.constant 0 : index
      %get3A_241 = arith.constant 0 : index
      %get3A_242 = arith.constant 0 : index
      %get3A_243 = vector.load %arg3[%get3A_240, %get3A_241, %get3A_242] : memref<1x1x2048xf32, #tpu.memory_space<vmem>>, vector<1x1x2048xf32>
      %get3A_244 = vector.shape_cast %get3A_243 : vector<1x1x2048xf32> to vector<1x2048xf32>
      %slice3A_245 = vector.extract_strided_slice %get3A_244 {offsets = [0, 512], sizes = [1, 512], strides = [1, 1]} : vector<1x2048xf32> to vector<1x512xf32>
      %add3A_246 = vector.broadcast %slice3A_245 : vector<1x512xf32> to vector<1024x512xf32>
      %add3A_247 = arith.addf %dot_general3A_239, %add3A_246 : vector<1024x512xf32>
      %mul3A_248 = arith.constant 2048 : i32
      %mul3A_249 = arith.muli %arg0, %mul3A_248 : i32
      %add3A_250 = arith.constant 0 : i32
      %add3A_251 = arith.addi %mul3A_249, %add3A_250 : i32
      %iota3A_252 = tpu.iota {dimensions = array<i32: 1>} : vector<1x512xi32>
      %add3A_253 = vector.broadcast %add3A_251 : i32 to vector<1x512xi32>
      %add3A_254 = arith.addi %add3A_253, %iota3A_252 : vector<1x512xi32>
      %ge3A = arith.constant 10000 : i32
      %ge3A_255 = vector.broadcast %ge3A : i32 to vector<1x512xi32>
      %ge3A_256 = arith.cmpi sge, %add3A_254, %ge3A_255 : vector<1x512xi32>
      %jit3A_257 = arith.constant -1.000000e+30 : f32
      %broadcast_in_dim3A_258 = vector.shape_cast %ge3A_256 : vector<1x512xi1> to vector<1x512xi1>
      %broadcast_in_dim3A_259 = vector.broadcast %broadcast_in_dim3A_258 : vector<1x512xi1> to vector<1024x512xi1>
      %broadcast_in_dim3A_260 = vector.broadcast %jit3A_257 : f32 to vector<1024x512xf32>
      %select_n3A_261 = arith.select %broadcast_in_dim3A_259, %add3A_230, %broadcast_in_dim3A_260 : vector<1024x512xi1>, vector<1024x512xf32>
      %slice3A_262 = vector.extract_strided_slice %select_n3A_261 {offsets = [0, 0], sizes = [1024, 128], strides = [1, 1]} : vector<1024x512xf32> to vector<1024x128xf32>
      %exp23A_263 = math.exp2 %slice3A_262 : vector<1024x128xf32>
      %add3A_264 = arith.addf %get3A_213, %exp23A_263 : vector<1024x128xf32>
      %slice3A_265 = vector.extract_strided_slice %select_n3A_261 {offsets = [0, 128], sizes = [1024, 128], strides = [1, 1]} : vector<1024x512xf32> to vector<1024x128xf32>
      %exp23A_266 = math.exp2 %slice3A_265 : vector<1024x128xf32>
      %add3A_267 = arith.addf %add3A_264, %exp23A_266 : vector<1024x128xf32>
      %slice3A_268 = vector.extract_strided_slice %select_n3A_261 {offsets = [0, 256], sizes = [1024, 128], strides = [1, 1]} : vector<1024x512xf32> to vector<1024x128xf32>
      %exp23A_269 = math.exp2 %slice3A_268 : vector<1024x128xf32>
      %add3A_270 = arith.addf %add3A_267, %exp23A_269 : vector<1024x128xf32>
      %slice3A_271 = vector.extract_strided_slice %select_n3A_261 {offsets = [0, 384], sizes = [1024, 128], strides = [1, 1]} : vector<1024x512xf32> to vector<1024x128xf32>
      %exp23A_272 = math.exp2 %slice3A_271 : vector<1024x128xf32>
      %add3A_273 = arith.addf %add3A_270, %exp23A_272 : vector<1024x128xf32>
      %get3A_274 = arith.constant 0 : index
      %get3A_275 = arith.constant 0 : index
      %get3A_276 = vector.load %arg1[%get3A_274, %get3A_275] : memref<1024x1024xbf16, #tpu.memory_space<vmem>>, vector<1024x1024xbf16>
      %get3A_277 = arith.constant 1024 : index
      %get3A_278 = arith.constant 0 : index
      %get3A_279 = vector.load %arg2[%get3A_277, %get3A_278] : memref<2048x1024xf32, #tpu.memory_space<vmem>>, vector<512x1024xf32>
      %convert_element_type3A_280 = arith.truncf %get3A_279 : vector<512x1024xf32> to vector<512x1024xbf16>
      %dot_general3A_281 = arith.constant dense<0.000000e+00> : vector<1024x512xf32>
      %dot_general3A_282 = tpu.matmul %get3A_276, %convert_element_type3A_280, %dot_general3A_281 {dimension_numbers = #tpu.dot_dimension_numbers<[1], [1], [0], [0], [0, 0, 1, 0], [], []>, transpose_lhs_hint = false} : vector<1024x1024xbf16>, vector<512x1024xbf16>, vector<1024x512xf32> -> vector<1024x512xf32>
      %get3A_283 = arith.constant 0 : index
      %get3A_284 = arith.constant 0 : index
      %get3A_285 = arith.constant 0 : index
      %get3A_286 = vector.load %arg3[%get3A_283, %get3A_284, %get3A_285] : memref<1x1x2048xf32, #tpu.memory_space<vmem>>, vector<1x1x2048xf32>
      %get3A_287 = vector.shape_cast %get3A_286 : vector<1x1x2048xf32> to vector<1x2048xf32>
      %slice3A_288 = vector.extract_strided_slice %get3A_287 {offsets = [0, 1024], sizes = [1, 512], strides = [1, 1]} : vector<1x2048xf32> to vector<1x512xf32>
      %add3A_289 = vector.broadcast %slice3A_288 : vector<1x512xf32> to vector<1024x512xf32>
      %add3A_290 = arith.addf %dot_general3A_282, %add3A_289 : vector<1024x512xf32>
      %mul3A_291 = arith.constant 2048 : i32
      %mul3A_292 = arith.muli %arg0, %mul3A_291 : i32
      %add3A_293 = arith.constant 512 : i32
      %add3A_294 = arith.addi %mul3A_292, %add3A_293 : i32
      %iota3A_295 = tpu.iota {dimensions = array<i32: 1>} : vector<1x512xi32>
      %add3A_296 = vector.broadcast %add3A_294 : i32 to vector<1x512xi32>
      %add3A_297 = arith.addi %add3A_296, %iota3A_295 : vector<1x512xi32>
      %ge3A_298 = arith.constant 10000 : i32
      %ge3A_299 = vector.broadcast %ge3A_298 : i32 to vector<1x512xi32>
      %ge3A_300 = arith.cmpi sge, %add3A_297, %ge3A_299 : vector<1x512xi32>
      %jit3A_301 = arith.constant -1.000000e+30 : f32
      %broadcast_in_dim3A_302 = vector.shape_cast %ge3A_300 : vector<1x512xi1> to vector<1x512xi1>
      %broadcast_in_dim3A_303 = vector.broadcast %broadcast_in_dim3A_302 : vector<1x512xi1> to vector<1024x512xi1>
      %broadcast_in_dim3A_304 = vector.broadcast %jit3A_301 : f32 to vector<1024x512xf32>
      %select_n3A_305 = arith.select %broadcast_in_dim3A_303, %add3A_247, %broadcast_in_dim3A_304 : vector<1024x512xi1>, vector<1024x512xf32>
      %slice3A_306 = vector.extract_strided_slice %select_n3A_305 {offsets = [0, 0], sizes = [1024, 128], strides = [1, 1]} : vector<1024x512xf32> to vector<1024x128xf32>
      %exp23A_307 = math.exp2 %slice3A_306 : vector<1024x128xf32>
      %add3A_308 = arith.addf %add3A_273, %exp23A_307 : vector<1024x128xf32>
      %slice3A_309 = vector.extract_strided_slice %select_n3A_305 {offsets = [0, 128], sizes = [1024, 128], strides = [1, 1]} : vector<1024x512xf32> to vector<1024x128xf32>
      %exp23A_310 = math.exp2 %slice3A_309 : vector<1024x128xf32>
      %add3A_311 = arith.addf %add3A_308, %exp23A_310 : vector<1024x128xf32>
      %slice3A_312 = vector.extract_strided_slice %select_n3A_305 {offsets = [0, 256], sizes = [1024, 128], strides = [1, 1]} : vector<1024x512xf32> to vector<1024x128xf32>
      %exp23A_313 = math.exp2 %slice3A_312 : vector<1024x128xf32>
      %add3A_314 = arith.addf %add3A_311, %exp23A_313 : vector<1024x128xf32>
      %slice3A_315 = vector.extract_strided_slice %select_n3A_305 {offsets = [0, 384], sizes = [1024, 128], strides = [1, 1]} : vector<1024x512xf32> to vector<1024x128xf32>
      %exp23A_316 = math.exp2 %slice3A_315 : vector<1024x128xf32>
      %add3A_317 = arith.addf %add3A_314, %exp23A_316 : vector<1024x128xf32>
      %get3A_318 = arith.constant 0 : index
      %get3A_319 = arith.constant 0 : index
      %get3A_320 = vector.load %arg1[%get3A_318, %get3A_319] : memref<1024x1024xbf16, #tpu.memory_space<vmem>>, vector<1024x1024xbf16>
      %get3A_321 = arith.constant 1536 : index
      %get3A_322 = arith.constant 0 : index
      %get3A_323 = vector.load %arg2[%get3A_321, %get3A_322] : memref<2048x1024xf32, #tpu.memory_space<vmem>>, vector<512x1024xf32>
      %convert_element_type3A_324 = arith.truncf %get3A_323 : vector<512x1024xf32> to vector<512x1024xbf16>
      %dot_general3A_325 = arith.constant dense<0.000000e+00> : vector<1024x512xf32>
      %dot_general3A_326 = tpu.matmul %get3A_320, %convert_element_type3A_324, %dot_general3A_325 {dimension_numbers = #tpu.dot_dimension_numbers<[1], [1], [0], [0], [0, 0, 1, 0], [], []>, transpose_lhs_hint = false} : vector<1024x1024xbf16>, vector<512x1024xbf16>, vector<1024x512xf32> -> vector<1024x512xf32>
      %get3A_327 = arith.constant 0 : index
      %get3A_328 = arith.constant 0 : index
      %get3A_329 = arith.constant 0 : index
      %get3A_330 = vector.load %arg3[%get3A_327, %get3A_328, %get3A_329] : memref<1x1x2048xf32, #tpu.memory_space<vmem>>, vector<1x1x2048xf32>
      %get3A_331 = vector.shape_cast %get3A_330 : vector<1x1x2048xf32> to vector<1x2048xf32>
      %slice3A_332 = vector.extract_strided_slice %get3A_331 {offsets = [0, 1536], sizes = [1, 512], strides = [1, 1]} : vector<1x2048xf32> to vector<1x512xf32>
      %add3A_333 = vector.broadcast %slice3A_332 : vector<1x512xf32> to vector<1024x512xf32>
      %add3A_334 = arith.addf %dot_general3A_326, %add3A_333 : vector<1024x512xf32>
      %mul3A_335 = arith.constant 2048 : i32
      %mul3A_336 = arith.muli %arg0, %mul3A_335 : i32
      %add3A_337 = arith.constant 1024 : i32
      %add3A_338 = arith.addi %mul3A_336, %add3A_337 : i32
      %iota3A_339 = tpu.iota {dimensions = array<i32: 1>} : vector<1x512xi32>
      %add3A_340 = vector.broadcast %add3A_338 : i32 to vector<1x512xi32>
      %add3A_341 = arith.addi %add3A_340, %iota3A_339 : vector<1x512xi32>
      %ge3A_342 = arith.constant 10000 : i32
      %ge3A_343 = vector.broadcast %ge3A_342 : i32 to vector<1x512xi32>
      %ge3A_344 = arith.cmpi sge, %add3A_341, %ge3A_343 : vector<1x512xi32>
      %jit3A_345 = arith.constant -1.000000e+30 : f32
      %broadcast_in_dim3A_346 = vector.shape_cast %ge3A_344 : vector<1x512xi1> to vector<1x512xi1>
      %broadcast_in_dim3A_347 = vector.broadcast %broadcast_in_dim3A_346 : vector<1x512xi1> to vector<1024x512xi1>
      %broadcast_in_dim3A_348 = vector.broadcast %jit3A_345 : f32 to vector<1024x512xf32>
      %select_n3A_349 = arith.select %broadcast_in_dim3A_347, %add3A_290, %broadcast_in_dim3A_348 : vector<1024x512xi1>, vector<1024x512xf32>
      %slice3A_350 = vector.extract_strided_slice %select_n3A_349 {offsets = [0, 0], sizes = [1024, 128], strides = [1, 1]} : vector<1024x512xf32> to vector<1024x128xf32>
      %exp23A_351 = math.exp2 %slice3A_350 : vector<1024x128xf32>
      %add3A_352 = arith.addf %add3A_317, %exp23A_351 : vector<1024x128xf32>
      %slice3A_353 = vector.extract_strided_slice %select_n3A_349 {offsets = [0, 128], sizes = [1024, 128], strides = [1, 1]} : vector<1024x512xf32> to vector<1024x128xf32>
      %exp23A_354 = math.exp2 %slice3A_353 : vector<1024x128xf32>
      %add3A_355 = arith.addf %add3A_352, %exp23A_354 : vector<1024x128xf32>
      %slice3A_356 = vector.extract_strided_slice %select_n3A_349 {offsets = [0, 256], sizes = [1024, 128], strides = [1, 1]} : vector<1024x512xf32> to vector<1024x128xf32>
      %exp23A_357 = math.exp2 %slice3A_356 : vector<1024x128xf32>
      %add3A_358 = arith.addf %add3A_355, %exp23A_357 : vector<1024x128xf32>
      %slice3A_359 = vector.extract_strided_slice %select_n3A_349 {offsets = [0, 384], sizes = [1024, 128], strides = [1, 1]} : vector<1024x512xf32> to vector<1024x128xf32>
      %exp23A_360 = math.exp2 %slice3A_359 : vector<1024x128xf32>
      %add3A_361 = arith.addf %add3A_358, %exp23A_360 : vector<1024x128xf32>
      %mul3A_362 = arith.constant 2048 : i32
      %mul3A_363 = arith.muli %arg0, %mul3A_362 : i32
      %add3A_364 = arith.constant 1536 : i32
      %add3A_365 = arith.addi %mul3A_363, %add3A_364 : i32
      %iota3A_366 = tpu.iota {dimensions = array<i32: 1>} : vector<1x512xi32>
      %add3A_367 = vector.broadcast %add3A_365 : i32 to vector<1x512xi32>
      %add3A_368 = arith.addi %add3A_367, %iota3A_366 : vector<1x512xi32>
      %ge3A_369 = arith.constant 10000 : i32
      %ge3A_370 = vector.broadcast %ge3A_369 : i32 to vector<1x512xi32>
      %ge3A_371 = arith.cmpi sge, %add3A_368, %ge3A_370 : vector<1x512xi32>
      %jit3A_372 = arith.constant -1.000000e+30 : f32
      %broadcast_in_dim3A_373 = vector.shape_cast %ge3A_371 : vector<1x512xi1> to vector<1x512xi1>
      %broadcast_in_dim3A_374 = vector.broadcast %broadcast_in_dim3A_373 : vector<1x512xi1> to vector<1024x512xi1>
      %broadcast_in_dim3A_375 = vector.broadcast %jit3A_372 : f32 to vector<1024x512xf32>
      %select_n3A_376 = arith.select %broadcast_in_dim3A_374, %add3A_334, %broadcast_in_dim3A_375 : vector<1024x512xi1>, vector<1024x512xf32>
      %slice3A_377 = vector.extract_strided_slice %select_n3A_376 {offsets = [0, 0], sizes = [1024, 128], strides = [1, 1]} : vector<1024x512xf32> to vector<1024x128xf32>
      %exp23A_378 = math.exp2 %slice3A_377 : vector<1024x128xf32>
      %add3A_379 = arith.addf %add3A_361, %exp23A_378 : vector<1024x128xf32>
      %slice3A_380 = vector.extract_strided_slice %select_n3A_376 {offsets = [0, 128], sizes = [1024, 128], strides = [1, 1]} : vector<1024x512xf32> to vector<1024x128xf32>
      %exp23A_381 = math.exp2 %slice3A_380 : vector<1024x128xf32>
      %add3A_382 = arith.addf %add3A_379, %exp23A_381 : vector<1024x128xf32>
      %slice3A_383 = vector.extract_strided_slice %select_n3A_376 {offsets = [0, 256], sizes = [1024, 128], strides = [1, 1]} : vector<1024x512xf32> to vector<1024x128xf32>
      %exp23A_384 = math.exp2 %slice3A_383 : vector<1024x128xf32>
      %add3A_385 = arith.addf %add3A_382, %exp23A_384 : vector<1024x128xf32>
      %slice3A_386 = vector.extract_strided_slice %select_n3A_376 {offsets = [0, 384], sizes = [1024, 128], strides = [1, 1]} : vector<1024x512xf32> to vector<1024x128xf32>
      %exp23A_387 = math.exp2 %slice3A_386 : vector<1024x128xf32>
      %add3A_388 = arith.addf %add3A_385, %exp23A_387 : vector<1024x128xf32>
      %swap3A_389 = arith.constant 0 : index
      %swap3A_390 = arith.constant 0 : index
      %swap3A_391 = vector.load %arg13[%swap3A_389, %swap3A_390] : memref<1024x128xf32, #tpu.memory_space<vmem>>, vector<1024x128xf32>
      tpu.vector_store %arg13[%swap3A_389, %swap3A_390], %add3A_388 {strides = array<i32>} : memref<1024x128xf32, #tpu.memory_space<vmem>>, vector<1024x128xf32>,
    } else {
    }
    %gt3A_22 = arith.constant 4 : i32
    %gt3A_23 = arith.cmpi sgt, %arg0, %gt3A_22 : i32
    %lt3A_24 = arith.constant 48 : i32
    %lt3A_25 = arith.cmpi slt, %arg0, %lt3A_24 : i32
    %and3A_26 = arith.andi %gt3A_23, %lt3A_25 : i1
    %convert_element_type3A_27 = arith.extui %and3A_26 : i1 to i32
    %cond3A_28 = arith.constant 0 : i32
    %cond3A_29 = arith.cmpi ne, %convert_element_type3A_27, %cond3A_28 : i32
    scf.if %cond3A_29 {
      %get3A = arith.constant 0 : index
      %get3A_40 = arith.constant 0 : index
      %get3A_41 = vector.load %arg13[%get3A, %get3A_40] : memref<1024x128xf32, #tpu.memory_space<vmem>>, vector<1024x128xf32>
      %get3A_42 = arith.constant 0 : index
      %get3A_43 = arith.constant 0 : index
      %get3A_44 = vector.load %arg1[%get3A_42, %get3A_43] : memref<1024x1024xbf16, #tpu.memory_space<vmem>>, vector<1024x1024xbf16>
      %get3A_45 = arith.constant 0 : index
      %get3A_46 = arith.constant 0 : index
      %get3A_47 = vector.load %arg2[%get3A_45, %get3A_46] : memref<2048x1024xf32, #tpu.memory_space<vmem>>, vector<512x1024xf32>
      %convert_element_type3A_48 = arith.truncf %get3A_47 : vector<512x1024xf32> to vector<512x1024xbf16>
      %dot_general3A = arith.constant dense<0.000000e+00> : vector<1024x512xf32>
      %dot_general3A_49 = tpu.matmul %get3A_44, %convert_element_type3A_48, %dot_general3A {dimension_numbers = #tpu.dot_dimension_numbers<[1], [1], [0], [0], [0, 0, 1, 0], [], []>, transpose_lhs_hint = false} : vector<1024x1024xbf16>, vector<512x1024xbf16>, vector<1024x512xf32> -> vector<1024x512xf32>
      %get3A_50 = arith.constant 0 : index
      %get3A_51 = arith.constant 0 : index
      %get3A_52 = arith.constant 0 : index
      %get3A_53 = vector.load %arg3[%get3A_50, %get3A_51, %get3A_52] : memref<1x1x2048xf32, #tpu.memory_space<vmem>>, vector<1x1x2048xf32>
      %get3A_54 = vector.shape_cast %get3A_53 : vector<1x1x2048xf32> to vector<1x2048xf32>
      %slice3A = vector.extract_strided_slice %get3A_54 {offsets = [0, 0], sizes = [1, 512], strides = [1, 1]} : vector<1x2048xf32> to vector<1x512xf32>
      %add3A = vector.broadcast %slice3A : vector<1x512xf32> to vector<1024x512xf32>
      %add3A_55 = arith.addf %dot_general3A_49, %add3A : vector<1024x512xf32>
      %get3A_56 = arith.constant 0 : index
      %get3A_57 = arith.constant 0 : index
      %get3A_58 = vector.load %arg1[%get3A_56, %get3A_57] : memref<1024x1024xbf16, #tpu.memory_space<vmem>>, vector<1024x1024xbf16>
      %get3A_59 = arith.constant 512 : index
      %get3A_60 = arith.constant 0 : index
      %get3A_61 = vector.load %arg2[%get3A_59, %get3A_60] : memref<2048x1024xf32, #tpu.memory_space<vmem>>, vector<512x1024xf32>
      %convert_element_type3A_62 = arith.truncf %get3A_61 : vector<512x1024xf32> to vector<512x1024xbf16>
      %dot_general3A_63 = arith.constant dense<0.000000e+00> : vector<1024x512xf32>
      %dot_general3A_64 = tpu.matmul %get3A_58, %convert_element_type3A_62, %dot_general3A_63 {dimension_numbers = #tpu.dot_dimension_numbers<[1], [1], [0], [0], [0, 0, 1, 0], [], []>, transpose_lhs_hint = false} : vector<1024x1024xbf16>, vector<512x1024xbf16>, vector<1024x512xf32> -> vector<1024x512xf32>
      %get3A_65 = arith.constant 0 : index
      %get3A_66 = arith.constant 0 : index
      %get3A_67 = arith.constant 0 : index
      %get3A_68 = vector.load %arg3[%get3A_65, %get3A_66, %get3A_67] : memref<1x1x2048xf32, #tpu.memory_space<vmem>>, vector<1x1x2048xf32>
      %get3A_69 = vector.shape_cast %get3A_68 : vector<1x1x2048xf32> to vector<1x2048xf32>
      %slice3A_70 = vector.extract_strided_slice %get3A_69 {offsets = [0, 512], sizes = [1, 512], strides = [1, 1]} : vector<1x2048xf32> to vector<1x512xf32>
      %add3A_71 = vector.broadcast %slice3A_70 : vector<1x512xf32> to vector<1024x512xf32>
      %add3A_72 = arith.addf %dot_general3A_64, %add3A_71 : vector<1024x512xf32>
      %slice3A_73 = vector.extract_strided_slice %add3A_55 {offsets = [0, 0], sizes = [1024, 128], strides = [1, 1]} : vector<1024x512xf32> to vector<1024x128xf32>
      %exp23A = math.exp2 %slice3A_73 : vector<1024x128xf32>
      %add3A_74 = arith.addf %get3A_41, %exp23A : vector<1024x128xf32>
      %slice3A_75 = vector.extract_strided_slice %add3A_55 {offsets = [0, 128], sizes = [1024, 128], strides = [1, 1]} : vector<1024x512xf32> to vector<1024x128xf32>
      %exp23A_76 = math.exp2 %slice3A_75 : vector<1024x128xf32>
      %add3A_77 = arith.addf %add3A_74, %exp23A_76 : vector<1024x128xf32>
      %slice3A_78 = vector.extract_strided_slice %add3A_55 {offsets = [0, 256], sizes = [1024, 128], strides = [1, 1]} : vector<1024x512xf32> to vector<1024x128xf32>
      %exp23A_79 = math.exp2 %slice3A_78 : vector<1024x128xf32>
      %add3A_80 = arith.addf %add3A_77, %exp23A_79 : vector<1024x128xf32>
      %slice3A_81 = vector.extract_strided_slice %add3A_55 {offsets = [0, 384], sizes = [1024, 128], strides = [1, 1]} : vector<1024x512xf32> to vector<1024x128xf32>
      %exp23A_82 = math.exp2 %slice3A_81 : vector<1024x128xf32>
      %add3A_83 = arith.addf %add3A_80, %exp23A_82 : vector<1024x128xf32>
      %get3A_84 = arith.constant 0 : index
      %get3A_85 = arith.constant 0 : index
      %get3A_86 = vector.load %arg1[%get3A_84, %get3A_85] : memref<1024x1024xbf16, #tpu.memory_space<vmem>>, vector<1024x1024xbf16>
      %get3A_87 = arith.constant 1024 : index
      %get3A_88 = arith.constant 0 : index
      %get3A_89 = vector.load %arg2[%get3A_87, %get3A_88] : memref<2048x1024xf32, #tpu.memory_space<vmem>>, vector<512x1024xf32>
      %convert_element_type3A_90 = arith.truncf %get3A_89 : vector<512x1024xf32> to vector<512x1024xbf16>
      %dot_general3A_91 = arith.constant dense<0.000000e+00> : vector<1024x512xf32>
      %dot_general3A_92 = tpu.matmul %get3A_86, %convert_element_type3A_90, %dot_general3A_91 {dimension_numbers = #tpu.dot_dimension_numbers<[1], [1], [0], [0], [0, 0, 1, 0], [], []>, transpose_lhs_hint = false} : vector<1024x1024xbf16>, vector<512x1024xbf16>, vector<1024x512xf32> -> vector<1024x512xf32>
      %get3A_93 = arith.constant 0 : index
      %get3A_94 = arith.constant 0 : index
      %get3A_95 = arith.constant 0 : index
      %get3A_96 = vector.load %arg3[%get3A_93, %get3A_94, %get3A_95] : memref<1x1x2048xf32, #tpu.memory_space<vmem>>, vector<1x1x2048xf32>
      %get3A_97 = vector.shape_cast %get3A_96 : vector<1x1x2048xf32> to vector<1x2048xf32>
      %slice3A_98 = vector.extract_strided_slice %get3A_97 {offsets = [0, 1024], sizes = [1, 512], strides = [1, 1]} : vector<1x2048xf32> to vector<1x512xf32>
      %add3A_99 = vector.broadcast %slice3A_98 : vector<1x512xf32> to vector<1024x512xf32>
      %add3A_100 = arith.addf %dot_general3A_92, %add3A_99 : vector<1024x512xf32>
      %slice3A_101 = vector.extract_strided_slice %add3A_72 {offsets = [0, 0], sizes = [1024, 128], strides = [1, 1]} : vector<1024x512xf32> to vector<1024x128xf32>
      %exp23A_102 = math.exp2 %slice3A_101 : vector<1024x128xf32>
      %add3A_103 = arith.addf %add3A_83, %exp23A_102 : vector<1024x128xf32>
      %slice3A_104 = vector.extract_strided_slice %add3A_72 {offsets = [0, 128], sizes = [1024, 128], strides = [1, 1]} : vector<1024x512xf32> to vector<1024x128xf32>
      %exp23A_105 = math.exp2 %slice3A_104 : vector<1024x128xf32>
      %add3A_106 = arith.addf %add3A_103, %exp23A_105 : vector<1024x128xf32>
      %slice3A_107 = vector.extract_strided_slice %add3A_72 {offsets = [0, 256], sizes = [1024, 128], strides = [1, 1]} : vector<1024x512xf32> to vector<1024x128xf32>
      %exp23A_108 = math.exp2 %slice3A_107 : vector<1024x128xf32>
      %add3A_109 = arith.addf %add3A_106, %exp23A_108 : vector<1024x128xf32>
      %slice3A_110 = vector.extract_strided_slice %add3A_72 {offsets = [0, 384], sizes = [1024, 128], strides = [1, 1]} : vector<1024x512xf32> to vector<1024x128xf32>
      %exp23A_111 = math.exp2 %slice3A_110 : vector<1024x128xf32>
      %add3A_112 = arith.addf %add3A_109, %exp23A_111 : vector<1024x128xf32>
      %get3A_113 = arith.constant 0 : index
      %get3A_114 = arith.constant 0 : index
      %get3A_115 = vector.load %arg1[%get3A_113, %get3A_114] : memref<1024x1024xbf16, #tpu.memory_space<vmem>>, vector<1024x1024xbf16>
      %get3A_116 = arith.constant 1536 : index
      %get3A_117 = arith.constant 0 : index
      %get3A_118 = vector.load %arg2[%get3A_116, %get3A_117] : memref<2048x1024xf32, #tpu.memory_space<vmem>>, vector<512x1024xf32>
      %convert_element_type3A_119 = arith.truncf %get3A_118 : vector<512x1024xf32> to vector<512x1024xbf16>
      %dot_general3A_120 = arith.constant dense<0.000000e+00> : vector<1024x512xf32>
      %dot_general3A_121 = tpu.matmul %get3A_115, %convert_element_type3A_119, %dot_general3A_120 {dimension_numbers = #tpu.dot_dimension_numbers<[1], [1], [0], [0], [0, 0, 1, 0], [], []>, transpose_lhs_hint = false} : vector<1024x1024xbf16>, vector<512x1024xbf16>, vector<1024x512xf32> -> vector<1024x512xf32>
      %get3A_122 = arith.constant 0 : index
      %get3A_123 = arith.constant 0 : index
      %get3A_124 = arith.constant 0 : index
      %get3A_125 = vector.load %arg3[%get3A_122, %get3A_123, %get3A_124] : memref<1x1x2048xf32, #tpu.memory_space<vmem>>, vector<1x1x2048xf32>
      %get3A_126 = vector.shape_cast %get3A_125 : vector<1x1x2048xf32> to vector<1x2048xf32>
      %slice3A_127 = vector.extract_strided_slice %get3A_126 {offsets = [0, 1536], sizes = [1, 512], strides = [1, 1]} : vector<1x2048xf32> to vector<1x512xf32>
      %add3A_128 = vector.broadcast %slice3A_127 : vector<1x512xf32> to vector<1024x512xf32>
      %add3A_129 = arith.addf %dot_general3A_121, %add3A_128 : vector<1024x512xf32>
      %slice3A_130 = vector.extract_strided_slice %add3A_100 {offsets = [0, 0], sizes = [1024, 128], strides = [1, 1]} : vector<1024x512xf32> to vector<1024x128xf32>
      %exp23A_131 = math.exp2 %slice3A_130 : vector<1024x128xf32>
      %add3A_132 = arith.addf %add3A_112, %exp23A_131 : vector<1024x128xf32>
      %slice3A_133 = vector.extract_strided_slice %add3A_100 {offsets = [0, 128], sizes = [1024, 128], strides = [1, 1]} : vector<1024x512xf32> to vector<1024x128xf32>
      %exp23A_134 = math.exp2 %slice3A_133 : vector<1024x128xf32>
      %add3A_135 = arith.addf %add3A_132, %exp23A_134 : vector<1024x128xf32>
      %slice3A_136 = vector.extract_strided_slice %add3A_100 {offsets = [0, 256], sizes = [1024, 128], strides = [1, 1]} : vector<1024x512xf32> to vector<1024x128xf32>
      %exp23A_137 = math.exp2 %slice3A_136 : vector<1024x128xf32>
      %add3A_138 = arith.addf %add3A_135, %exp23A_137 : vector<1024x128xf32>
      %slice3A_139 = vector.extract_strided_slice %add3A_100 {offsets = [0, 384], sizes = [1024, 128], strides = [1, 1]} : vector<1024x512xf32> to vector<1024x128xf32>
      %exp23A_140 = math.exp2 %slice3A_139 : vector<1024x128xf32>
      %add3A_141 = arith.addf %add3A_138, %exp23A_140 : vector<1024x128xf32>
      %slice3A_142 = vector.extract_strided_slice %add3A_129 {offsets = [0, 0], sizes = [1024, 128], strides = [1, 1]} : vector<1024x512xf32> to vector<1024x128xf32>
      %exp23A_143 = math.exp2 %slice3A_142 : vector<1024x128xf32>
      %add3A_144 = arith.addf %add3A_141, %exp23A_143 : vector<1024x128xf32>
      %slice3A_145 = vector.extract_strided_slice %add3A_129 {offsets = [0, 128], sizes = [1024, 128], strides = [1, 1]} : vector<1024x512xf32> to vector<1024x128xf32>
      %exp23A_146 = math.exp2 %slice3A_145 : vector<1024x128xf32>
      %add3A_147 = arith.addf %add3A_144, %exp23A_146 : vector<1024x128xf32>
      %slice3A_148 = vector.extract_strided_slice %add3A_129 {offsets = [0, 256], sizes = [1024, 128], strides = [1, 1]} : vector<1024x512xf32> to vector<1024x128xf32>
      %exp23A_149 = math.exp2 %slice3A_148 : vector<1024x128xf32>
      %add3A_150 = arith.addf %add3A_147, %exp23A_149 : vector<1024x128xf32>
      %slice3A_151 = vector.extract_strided_slice %add3A_129 {offsets = [0, 384], sizes = [1024, 128], strides = [1, 1]} : vector<1024x512xf32> to vector<1024x128xf32>
      %exp23A_152 = math.exp2 %slice3A_151 : vector<1024x128xf32>
      %add3A_153 = arith.addf %add3A_150, %exp23A_152 : vector<1024x128xf32>
      %swap3A = arith.constant 0 : index
      %swap3A_154 = arith.constant 0 : index
      %swap3A_155 = vector.load %arg13[%swap3A, %swap3A_154] : memref<1024x128xf32, #tpu.memory_space<vmem>>, vector<1024x128xf32>
      tpu.vector_store %arg13[%swap3A, %swap3A_154], %add3A_153 {strides = array<i32>} : memref<1024x128xf32, #tpu.memory_space<vmem>>, vector<1024x128xf32>,
    } else {
    }
    %eq3A_30 = arith.constant 48 : i32
    %eq3A_31 = arith.cmpi eq, %arg0, %eq3A_30 : i32
    %convert_element_type3A_32 = arith.extui %eq3A_31 : i1 to i32
    %cond3A_33 = arith.constant 0 : i32
    %cond3A_34 = arith.cmpi ne, %convert_element_type3A_32, %cond3A_33 : i32
    scf.if %cond3A_34 {
      %get3A = arith.constant 0 : index
      %get3A_40 = arith.constant 0 : index
      %get3A_41 = vector.load %arg13[%get3A, %get3A_40] : memref<1024x128xf32, #tpu.memory_space<vmem>>, vector<1024x128xf32>
      %get3A_42 = arith.constant 0 : index
      %get3A_43 = arith.constant 0 : index
      %get3A_44 = vector.load %arg1[%get3A_42, %get3A_43] : memref<1024x1024xbf16, #tpu.memory_space<vmem>>, vector<1024x1024xbf16>
      %get3A_45 = arith.constant 0 : index
      %get3A_46 = arith.constant 0 : index
      %get3A_47 = vector.load %arg2[%get3A_45, %get3A_46] : memref<2048x1024xf32, #tpu.memory_space<vmem>>, vector<512x1024xf32>
      %convert_element_type3A_48 = arith.truncf %get3A_47 : vector<512x1024xf32> to vector<512x1024xbf16>
      %dot_general3A = arith.constant dense<0.000000e+00> : vector<1024x512xf32>
      %dot_general3A_49 = tpu.matmul %get3A_44, %convert_element_type3A_48, %dot_general3A {dimension_numbers = #tpu.dot_dimension_numbers<[1], [1], [0], [0], [0, 0, 1, 0], [], []>, transpose_lhs_hint = false} : vector<1024x1024xbf16>, vector<512x1024xbf16>, vector<1024x512xf32> -> vector<1024x512xf32>
      %get3A_50 = arith.constant 0 : index
      %get3A_51 = arith.constant 0 : index
      %get3A_52 = arith.constant 0 : index
      %get3A_53 = vector.load %arg3[%get3A_50, %get3A_51, %get3A_52] : memref<1x1x2048xf32, #tpu.memory_space<vmem>>, vector<1x1x2048xf32>
      %get3A_54 = vector.shape_cast %get3A_53 : vector<1x1x2048xf32> to vector<1x2048xf32>
      %slice3A = vector.extract_strided_slice %get3A_54 {offsets = [0, 0], sizes = [1, 512], strides = [1, 1]} : vector<1x2048xf32> to vector<1x512xf32>
      %add3A = vector.broadcast %slice3A : vector<1x512xf32> to vector<1024x512xf32>
      %add3A_55 = arith.addf %dot_general3A_49, %add3A : vector<1024x512xf32>
      %get3A_56 = arith.constant 0 : index
      %get3A_57 = arith.constant 0 : index
      %get3A_58 = vector.load %arg1[%get3A_56, %get3A_57] : memref<1024x1024xbf16, #tpu.memory_space<vmem>>, vector<1024x1024xbf16>
      %get3A_59 = arith.constant 512 : index
      %get3A_60 = arith.constant 0 : index
      %get3A_61 = vector.load %arg2[%get3A_59, %get3A_60] : memref<2048x1024xf32, #tpu.memory_space<vmem>>, vector<512x1024xf32>
      %convert_element_type3A_62 = arith.truncf %get3A_61 : vector<512x1024xf32> to vector<512x1024xbf16>
      %dot_general3A_63 = arith.constant dense<0.000000e+00> : vector<1024x512xf32>
      %dot_general3A_64 = tpu.matmul %get3A_58, %convert_element_type3A_62, %dot_general3A_63 {dimension_numbers = #tpu.dot_dimension_numbers<[1], [1], [0], [0], [0, 0, 1, 0], [], []>, transpose_lhs_hint = false} : vector<1024x1024xbf16>, vector<512x1024xbf16>, vector<1024x512xf32> -> vector<1024x512xf32>
      %get3A_65 = arith.constant 0 : index
      %get3A_66 = arith.constant 0 : index
      %get3A_67 = arith.constant 0 : index
      %get3A_68 = vector.load %arg3[%get3A_65, %get3A_66, %get3A_67] : memref<1x1x2048xf32, #tpu.memory_space<vmem>>, vector<1x1x2048xf32>
      %get3A_69 = vector.shape_cast %get3A_68 : vector<1x1x2048xf32> to vector<1x2048xf32>
      %slice3A_70 = vector.extract_strided_slice %get3A_69 {offsets = [0, 512], sizes = [1, 512], strides = [1, 1]} : vector<1x2048xf32> to vector<1x512xf32>
      %add3A_71 = vector.broadcast %slice3A_70 : vector<1x512xf32> to vector<1024x512xf32>
      %add3A_72 = arith.addf %dot_general3A_64, %add3A_71 : vector<1024x512xf32>
      %mul3A = arith.constant 2048 : i32
      %mul3A_73 = arith.muli %arg0, %mul3A : i32
      %add3A_74 = arith.constant 0 : i32
      %add3A_75 = arith.addi %mul3A_73, %add3A_74 : i32
      %iota3A = tpu.iota {dimensions = array<i32: 1>} : vector<1x512xi32>
      %add3A_76 = vector.broadcast %add3A_75 : i32 to vector<1x512xi32>
      %add3A_77 = arith.addi %add3A_76, %iota3A : vector<1x512xi32>
      %lt3A_78 = arith.constant 100000 : i32
      %lt3A_79 = vector.broadcast %lt3A_78 : i32 to vector<1x512xi32>
      %lt3A_80 = arith.cmpi slt, %add3A_77, %lt3A_79 : vector<1x512xi32>
      %jit3A = arith.constant -1.000000e+30 : f32
      %broadcast_in_dim3A = vector.shape_cast %lt3A_80 : vector<1x512xi1> to vector<1x512xi1>
      %broadcast_in_dim3A_81 = vector.broadcast %broadcast_in_dim3A : vector<1x512xi1> to vector<1024x512xi1>
      %broadcast_in_dim3A_82 = vector.broadcast %jit3A : f32 to vector<1024x512xf32>
      %select_n3A = arith.select %broadcast_in_dim3A_81, %add3A_55, %broadcast_in_dim3A_82 : vector<1024x512xi1>, vector<1024x512xf32>
      %slice3A_83 = vector.extract_strided_slice %select_n3A {offsets = [0, 0], sizes = [1024, 128], strides = [1, 1]} : vector<1024x512xf32> to vector<1024x128xf32>
      %exp23A = math.exp2 %slice3A_83 : vector<1024x128xf32>
      %add3A_84 = arith.addf %get3A_41, %exp23A : vector<1024x128xf32>
      %slice3A_85 = vector.extract_strided_slice %select_n3A {offsets = [0, 128], sizes = [1024, 128], strides = [1, 1]} : vector<1024x512xf32> to vector<1024x128xf32>
      %exp23A_86 = math.exp2 %slice3A_85 : vector<1024x128xf32>
      %add3A_87 = arith.addf %add3A_84, %exp23A_86 : vector<1024x128xf32>
      %slice3A_88 = vector.extract_strided_slice %select_n3A {offsets = [0, 256], sizes = [1024, 128], strides = [1, 1]} : vector<1024x512xf32> to vector<1024x128xf32>
      %exp23A_89 = math.exp2 %slice3A_88 : vector<1024x128xf32>
      %add3A_90 = arith.addf %add3A_87, %exp23A_89 : vector<1024x128xf32>
      %slice3A_91 = vector.extract_strided_slice %select_n3A {offsets = [0, 384], sizes = [1024, 128], strides = [1, 1]} : vector<1024x512xf32> to vector<1024x128xf32>
      %exp23A_92 = math.exp2 %slice3A_91 : vector<1024x128xf32>
      %add3A_93 = arith.addf %add3A_90, %exp23A_92 : vector<1024x128xf32>
      %get3A_94 = arith.constant 0 : index
      %get3A_95 = arith.constant 0 : index
      %get3A_96 = vector.load %arg1[%get3A_94, %get3A_95] : memref<1024x1024xbf16, #tpu.memory_space<vmem>>, vector<1024x1024xbf16>
      %get3A_97 = arith.constant 1024 : index
      %get3A_98 = arith.constant 0 : index
      %get3A_99 = vector.load %arg2[%get3A_97, %get3A_98] : memref<2048x1024xf32, #tpu.memory_space<vmem>>, vector<512x1024xf32>
      %convert_element_type3A_100 = arith.truncf %get3A_99 : vector<512x1024xf32> to vector<512x1024xbf16>
      %dot_general3A_101 = arith.constant dense<0.000000e+00> : vector<1024x512xf32>
      %dot_general3A_102 = tpu.matmul %get3A_96, %convert_element_type3A_100, %dot_general3A_101 {dimension_numbers = #tpu.dot_dimension_numbers<[1], [1], [0], [0], [0, 0, 1, 0], [], []>, transpose_lhs_hint = false} : vector<1024x1024xbf16>, vector<512x1024xbf16>, vector<1024x512xf32> -> vector<1024x512xf32>
      %get3A_103 = arith.constant 0 : index
      %get3A_104 = arith.constant 0 : index
      %get3A_105 = arith.constant 0 : index
      %get3A_106 = vector.load %arg3[%get3A_103, %get3A_104, %get3A_105] : memref<1x1x2048xf32, #tpu.memory_space<vmem>>, vector<1x1x2048xf32>
      %get3A_107 = vector.shape_cast %get3A_106 : vector<1x1x2048xf32> to vector<1x2048xf32>
      %slice3A_108 = vector.extract_strided_slice %get3A_107 {offsets = [0, 1024], sizes = [1, 512], strides = [1, 1]} : vector<1x2048xf32> to vector<1x512xf32>
      %add3A_109 = vector.broadcast %slice3A_108 : vector<1x512xf32> to vector<1024x512xf32>
      %add3A_110 = arith.addf %dot_general3A_102, %add3A_109 : vector<1024x512xf32>
      %mul3A_111 = arith.constant 2048 : i32
      %mul3A_112 = arith.muli %arg0, %mul3A_111 : i32
      %add3A_113 = arith.constant 512 : i32
      %add3A_114 = arith.addi %mul3A_112, %add3A_113 : i32
      %iota3A_115 = tpu.iota {dimensions = array<i32: 1>} : vector<1x512xi32>
      %add3A_116 = vector.broadcast %add3A_114 : i32 to vector<1x512xi32>
      %add3A_117 = arith.addi %add3A_116, %iota3A_115 : vector<1x512xi32>
      %lt3A_118 = arith.constant 100000 : i32
      %lt3A_119 = vector.broadcast %lt3A_118 : i32 to vector<1x512xi32>
      %lt3A_120 = arith.cmpi slt, %add3A_117, %lt3A_119 : vector<1x512xi32>
      %jit3A_121 = arith.constant -1.000000e+30 : f32
      %broadcast_in_dim3A_122 = vector.shape_cast %lt3A_120 : vector<1x512xi1> to vector<1x512xi1>
      %broadcast_in_dim3A_123 = vector.broadcast %broadcast_in_dim3A_122 : vector<1x512xi1> to vector<1024x512xi1>
      %broadcast_in_dim3A_124 = vector.broadcast %jit3A_121 : f32 to vector<1024x512xf32>
      %select_n3A_125 = arith.select %broadcast_in_dim3A_123, %add3A_72, %broadcast_in_dim3A_124 : vector<1024x512xi1>, vector<1024x512xf32>
      %slice3A_126 = vector.extract_strided_slice %select_n3A_125 {offsets = [0, 0], sizes = [1024, 128], strides = [1, 1]} : vector<1024x512xf32> to vector<1024x128xf32>
      %exp23A_127 = math.exp2 %slice3A_126 : vector<1024x128xf32>
      %add3A_128 = arith.addf %add3A_93, %exp23A_127 : vector<1024x128xf32>
      %slice3A_129 = vector.extract_strided_slice %select_n3A_125 {offsets = [0, 128], sizes = [1024, 128], strides = [1, 1]} : vector<1024x512xf32> to vector<1024x128xf32>
      %exp23A_130 = math.exp2 %slice3A_129 : vector<1024x128xf32>
      %add3A_131 = arith.addf %add3A_128, %exp23A_130 : vector<1024x128xf32>
      %slice3A_132 = vector.extract_strided_slice %select_n3A_125 {offsets = [0, 256], sizes = [1024, 128], strides = [1, 1]} : vector<1024x512xf32> to vector<1024x128xf32>
      %exp23A_133 = math.exp2 %slice3A_132 : vector<1024x128xf32>
      %add3A_134 = arith.addf %add3A_131, %exp23A_133 : vector<1024x128xf32>
      %slice3A_135 = vector.extract_strided_slice %select_n3A_125 {offsets = [0, 384], sizes = [1024, 128], strides = [1, 1]} : vector<1024x512xf32> to vector<1024x128xf32>
      %exp23A_136 = math.exp2 %slice3A_135 : vector<1024x128xf32>
      %add3A_137 = arith.addf %add3A_134, %exp23A_136 : vector<1024x128xf32>
      %get3A_138 = arith.constant 0 : index
      %get3A_139 = arith.constant 0 : index
      %get3A_140 = vector.load %arg1[%get3A_138, %get3A_139] : memref<1024x1024xbf16, #tpu.memory_space<vmem>>, vector<1024x1024xbf16>
      %get3A_141 = arith.constant 1536 : index
      %get3A_142 = arith.constant 0 : index
      %get3A_143 = vector.load %arg2[%get3A_141, %get3A_142] : memref<2048x1024xf32, #tpu.memory_space<vmem>>, vector<512x1024xf32>
      %convert_element_type3A_144 = arith.truncf %get3A_143 : vector<512x1024xf32> to vector<512x1024xbf16>
      %dot_general3A_145 = arith.constant dense<0.000000e+00> : vector<1024x512xf32>
      %dot_general3A_146 = tpu.matmul %get3A_140, %convert_element_type3A_144, %dot_general3A_145 {dimension_numbers = #tpu.dot_dimension_numbers<[1], [1], [0], [0], [0, 0, 1, 0], [], []>, transpose_lhs_hint = false} : vector<1024x1024xbf16>, vector<512x1024xbf16>, vector<1024x512xf32> -> vector<1024x512xf32>
      %get3A_147 = arith.constant 0 : index
      %get3A_148 = arith.constant 0 : index
      %get3A_149 = arith.constant 0 : index
      %get3A_150 = vector.load %arg3[%get3A_147, %get3A_148, %get3A_149] : memref<1x1x2048xf32, #tpu.memory_space<vmem>>, vector<1x1x2048xf32>
      %get3A_151 = vector.shape_cast %get3A_150 : vector<1x1x2048xf32> to vector<1x2048xf32>
      %slice3A_152 = vector.extract_strided_slice %get3A_151 {offsets = [0, 1536], sizes = [1, 512], strides = [1, 1]} : vector<1x2048xf32> to vector<1x512xf32>
      %add3A_153 = vector.broadcast %slice3A_152 : vector<1x512xf32> to vector<1024x512xf32>
      %add3A_154 = arith.addf %dot_general3A_146, %add3A_153 : vector<1024x512xf32>
      %mul3A_155 = arith.constant 2048 : i32
      %mul3A_156 = arith.muli %arg0, %mul3A_155 : i32
      %add3A_157 = arith.constant 1024 : i32
      %add3A_158 = arith.addi %mul3A_156, %add3A_157 : i32
      %iota3A_159 = tpu.iota {dimensions = array<i32: 1>} : vector<1x512xi32>
      %add3A_160 = vector.broadcast %add3A_158 : i32 to vector<1x512xi32>
      %add3A_161 = arith.addi %add3A_160, %iota3A_159 : vector<1x512xi32>
      %lt3A_162 = arith.constant 100000 : i32
      %lt3A_163 = vector.broadcast %lt3A_162 : i32 to vector<1x512xi32>
      %lt3A_164 = arith.cmpi slt, %add3A_161, %lt3A_163 : vector<1x512xi32>
      %jit3A_165 = arith.constant -1.000000e+30 : f32
      %broadcast_in_dim3A_166 = vector.shape_cast %lt3A_164 : vector<1x512xi1> to vector<1x512xi1>
      %broadcast_in_dim3A_167 = vector.broadcast %broadcast_in_dim3A_166 : vector<1x512xi1> to vector<1024x512xi1>
      %broadcast_in_dim3A_168 = vector.broadcast %jit3A_165 : f32 to vector<1024x512xf32>
      %select_n3A_169 = arith.select %broadcast_in_dim3A_167, %add3A_110, %broadcast_in_dim3A_168 : vector<1024x512xi1>, vector<1024x512xf32>
      %slice3A_170 = vector.extract_strided_slice %select_n3A_169 {offsets = [0, 0], sizes = [1024, 128], strides = [1, 1]} : vector<1024x512xf32> to vector<1024x128xf32>
      %exp23A_171 = math.exp2 %slice3A_170 : vector<1024x128xf32>
      %add3A_172 = arith.addf %add3A_137, %exp23A_171 : vector<1024x128xf32>
      %slice3A_173 = vector.extract_strided_slice %select_n3A_169 {offsets = [0, 128], sizes = [1024, 128], strides = [1, 1]} : vector<1024x512xf32> to vector<1024x128xf32>
      %exp23A_174 = math.exp2 %slice3A_173 : vector<1024x128xf32>
      %add3A_175 = arith.addf %add3A_172, %exp23A_174 : vector<1024x128xf32>
      %slice3A_176 = vector.extract_strided_slice %select_n3A_169 {offsets = [0, 256], sizes = [1024, 128], strides = [1, 1]} : vector<1024x512xf32> to vector<1024x128xf32>
      %exp23A_177 = math.exp2 %slice3A_176 : vector<1024x128xf32>
      %add3A_178 = arith.addf %add3A_175, %exp23A_177 : vector<1024x128xf32>
      %slice3A_179 = vector.extract_strided_slice %select_n3A_169 {offsets = [0, 384], sizes = [1024, 128], strides = [1, 1]} : vector<1024x512xf32> to vector<1024x128xf32>
      %exp23A_180 = math.exp2 %slice3A_179 : vector<1024x128xf32>
      %add3A_181 = arith.addf %add3A_178, %exp23A_180 : vector<1024x128xf32>
      %mul3A_182 = arith.constant 2048 : i32
      %mul3A_183 = arith.muli %arg0, %mul3A_182 : i32
      %add3A_184 = arith.constant 1536 : i32
      %add3A_185 = arith.addi %mul3A_183, %add3A_184 : i32
      %iota3A_186 = tpu.iota {dimensions = array<i32: 1>} : vector<1x512xi32>
      %add3A_187 = vector.broadcast %add3A_185 : i32 to vector<1x512xi32>
      %add3A_188 = arith.addi %add3A_187, %iota3A_186 : vector<1x512xi32>
      %lt3A_189 = arith.constant 100000 : i32
      %lt3A_190 = vector.broadcast %lt3A_189 : i32 to vector<1x512xi32>
      %lt3A_191 = arith.cmpi slt, %add3A_188, %lt3A_190 : vector<1x512xi32>
      %jit3A_192 = arith.constant -1.000000e+30 : f32
      %broadcast_in_dim3A_193 = vector.shape_cast %lt3A_191 : vector<1x512xi1> to vector<1x512xi1>
      %broadcast_in_dim3A_194 = vector.broadcast %broadcast_in_dim3A_193 : vector<1x512xi1> to vector<1024x512xi1>
      %broadcast_in_dim3A_195 = vector.broadcast %jit3A_192 : f32 to vector<1024x512xf32>
      %select_n3A_196 = arith.select %broadcast_in_dim3A_194, %add3A_154, %broadcast_in_dim3A_195 : vector<1024x512xi1>, vector<1024x512xf32>
      %slice3A_197 = vector.extract_strided_slice %select_n3A_196 {offsets = [0, 0], sizes = [1024, 128], strides = [1, 1]} : vector<1024x512xf32> to vector<1024x128xf32>
      %exp23A_198 = math.exp2 %slice3A_197 : vector<1024x128xf32>
      %add3A_199 = arith.addf %add3A_181, %exp23A_198 : vector<1024x128xf32>
      %slice3A_200 = vector.extract_strided_slice %select_n3A_196 {offsets = [0, 128], sizes = [1024, 128], strides = [1, 1]} : vector<1024x512xf32> to vector<1024x128xf32>
      %exp23A_201 = math.exp2 %slice3A_200 : vector<1024x128xf32>
      %add3A_202 = arith.addf %add3A_199, %exp23A_201 : vector<1024x128xf32>
      %slice3A_203 = vector.extract_strided_slice %select_n3A_196 {offsets = [0, 256], sizes = [1024, 128], strides = [1, 1]} : vector<1024x512xf32> to vector<1024x128xf32>
      %exp23A_204 = math.exp2 %slice3A_203 : vector<1024x128xf32>
      %add3A_205 = arith.addf %add3A_202, %exp23A_204 : vector<1024x128xf32>
      %slice3A_206 = vector.extract_strided_slice %select_n3A_196 {offsets = [0, 384], sizes = [1024, 128], strides = [1, 1]} : vector<1024x512xf32> to vector<1024x128xf32>
      %exp23A_207 = math.exp2 %slice3A_206 : vector<1024x128xf32>
      %add3A_208 = arith.addf %add3A_205, %exp23A_207 : vector<1024x128xf32>
      %swap3A = arith.constant 0 : index
      %swap3A_209 = arith.constant 0 : index
      %swap3A_210 = vector.load %arg13[%swap3A, %swap3A_209] : memref<1024x128xf32, #tpu.memory_space<vmem>>, vector<1024x128xf32>
      tpu.vector_store %arg13[%swap3A, %swap3A_209], %add3A_208 {strides = array<i32>} : memref<1024x128xf32, #tpu.memory_space<vmem>>, vector<1024x128xf32>,
    } else {
    }
    %eq3A_35 = arith.constant 48 : i32
    %eq3A_36 = arith.cmpi eq, %arg0, %eq3A_35 : i32
    %convert_element_type3A_37 = arith.extui %eq3A_36 : i1 to i32
    %cond3A_38 = arith.constant 0 : i32
    %cond3A_39 = arith.cmpi ne, %convert_element_type3A_37, %cond3A_38 : i32
    scf.if %cond3A_39 {
      %get3A = arith.constant 0 : index
      %get3A_40 = arith.constant 0 : index
      %get3A_41 = vector.load %arg1[%get3A, %get3A_40] : memref<1024x1024xbf16, #tpu.memory_space<vmem>>, vector<1024x1024xbf16>
      %convert_element_type3A_42 = arith.extf %get3A_41 : vector<1024x1024xbf16> to vector<1024x1024xf32>
      %get3A_43 = arith.constant 0 : index
      %get3A_44 = arith.constant 0 : index
      %get3A_45 = vector.load %arg4[%get3A_43, %get3A_44] : memref<1024x1024xf32, #tpu.memory_space<vmem>>, vector<1024x1024xf32>
      %mul3A = arith.mulf %convert_element_type3A_42, %get3A_45 : vector<1024x1024xf32>
      %reduce_sum3A = arith.constant dense<0.000000e+00> : vector<1024xf32>
      %reduce_sum3A_46 = vector.multi_reduction <add>, %mul3A, %reduce_sum3A [1] : vector<1024x1024xf32> to vector<1024xf32>
      %broadcast_in_dim3A = vector.shape_cast %reduce_sum3A_46 : vector<1024xf32> to vector<1024x1xf32>
      %get3A_47 = arith.constant 0 : index
      %get3A_48 = arith.constant 0 : index
      %get3A_49 = vector.load %arg5[%get3A_47, %get3A_48] : memref<1024x1xf32, #tpu.memory_space<vmem>>, vector<1024x1xf32>
      %add3A = arith.addf %broadcast_in_dim3A, %get3A_49 : vector<1024x1xf32>
      %get3A_50 = arith.constant 0 : index
      %get3A_51 = arith.constant 0 : index
      %get3A_52 = vector.load %arg1[%get3A_50, %get3A_51] : memref<1024x1024xbf16, #tpu.memory_space<vmem>>, vector<1024x1024xbf16>
      %get3A_53 = arith.constant 0 : index
      %get3A_54 = arith.constant 0 : index
      %get3A_55 = vector.load %arg7[%get3A_53, %get3A_54] : memref<2x1024xf32, #tpu.memory_space<vmem>>, vector<2x1024xf32>
      %convert_element_type3A_56 = arith.truncf %get3A_55 : vector<2x1024xf32> to vector<2x1024xbf16>
      %dot_general3A = arith.constant dense<0.000000e+00> : vector<1024x2xf32>
      %dot_general3A_57 = tpu.matmul %get3A_52, %convert_element_type3A_56, %dot_general3A {dimension_numbers = #tpu.dot_dimension_numbers<[1], [1], [0], [0], [0, 0, 1, 0], [], []>, transpose_lhs_hint = false} : vector<1024x1024xbf16>, vector<2x1024xbf16>, vector<1024x2xf32> -> vector<1024x2xf32>
      %get3A_58 = arith.constant 0 : index
      %get3A_59 = arith.constant 0 : index
      %get3A_60 = vector.load %arg8[%get3A_58, %get3A_59] : memref<1x2xf32, #tpu.memory_space<vmem>>, vector<1x2xf32>
      %add3A_61 = vector.broadcast %get3A_60 : vector<1x2xf32> to vector<1024x2xf32>
      %add3A_62 = arith.addf %dot_general3A_57, %add3A_61 : vector<1024x2xf32>
      %get3A_63 = arith.constant 0 : index
      %get3A_64 = arith.constant 0 : index
      %get3A_65 = vector.load %arg11[%get3A_63, %get3A_64] : memref<1024x128xf32, #tpu.memory_space<vmem>>, vector<1024x128xf32>
      %reduce_sum3A_66 = arith.constant dense<0.000000e+00> : vector<1024xf32>
      %reduce_sum3A_67 = vector.multi_reduction <add>, %get3A_65, %reduce_sum3A_66 [1] : vector<1024x128xf32> to vector<1024xf32>
      %broadcast_in_dim3A_68 = vector.shape_cast %reduce_sum3A_67 : vector<1024xf32> to vector<1024x1xf32>
      %exp23A = math.exp2 %add3A_62 : vector<1024x2xf32>
      %reduce_sum3A_69 = arith.constant dense<0.000000e+00> : vector<1024xf32>
      %reduce_sum3A_70 = vector.multi_reduction <add>, %exp23A, %reduce_sum3A_69 [1] : vector<1024x2xf32> to vector<1024xf32>
      %broadcast_in_dim3A_71 = vector.shape_cast %reduce_sum3A_70 : vector<1024xf32> to vector<1024x1xf32>
      %add3A_72 = arith.addf %broadcast_in_dim3A_68, %broadcast_in_dim3A_71 : vector<1024x1xf32>
      %log3A = math.log %add3A_72 : vector<1024x1xf32>
      %get3A_73 = arith.constant 0 : index
      %get3A_74 = arith.constant 0 : index
      %get3A_75 = vector.load %arg12[%get3A_73, %get3A_74] : memref<1024x128xf32, #tpu.memory_space<vmem>>, vector<1024x128xf32>
      %reduce_sum3A_76 = arith.constant dense<0.000000e+00> : vector<1024xf32>
      %reduce_sum3A_77 = vector.multi_reduction <add>, %get3A_75, %reduce_sum3A_76 [1] : vector<1024x128xf32> to vector<1024xf32>
      %broadcast_in_dim3A_78 = vector.shape_cast %reduce_sum3A_77 : vector<1024xf32> to vector<1024x1xf32>
      %log3A_79 = math.log %broadcast_in_dim3A_78 : vector<1024x1xf32>
      %get3A_80 = arith.constant 0 : index
      %get3A_81 = arith.constant 0 : index
      %get3A_82 = vector.load %arg13[%get3A_80, %get3A_81] : memref<1024x128xf32, #tpu.memory_space<vmem>>, vector<1024x128xf32>
      %reduce_sum3A_83 = arith.constant dense<0.000000e+00> : vector<1024xf32>
      %reduce_sum3A_84 = vector.multi_reduction <add>, %get3A_82, %reduce_sum3A_83 [1] : vector<1024x128xf32> to vector<1024xf32>
      %broadcast_in_dim3A_85 = vector.shape_cast %reduce_sum3A_84 : vector<1024xf32> to vector<1024x1xf32>
      %log3A_86 = math.log %broadcast_in_dim3A_85 : vector<1024x1xf32>
      %mul3A_87 = arith.constant 0.693147182 : f32
      %mul3A_88 = vector.broadcast %mul3A_87 : f32 to vector<1024x1xf32>
      %mul3A_89 = arith.mulf %mul3A_88, %add3A : vector<1024x1xf32>
      %get3A_90 = arith.constant 0 : index
      %get3A_91 = arith.constant 0 : index
      %get3A_92 = vector.load %arg6[%get3A_90, %get3A_91] : memref<1024x1xi32, #tpu.memory_space<vmem>>, vector<1024x1xi32>
      %lt3A_93 = arith.constant 2000 : i32
      %lt3A_94 = vector.broadcast %lt3A_93 : i32 to vector<1024x1xi32>
      %lt3A_95 = arith.cmpi slt, %get3A_92, %lt3A_94 : vector<1024x1xi32>
      %ge3A = arith.constant 2000 : i32
      %ge3A_96 = vector.broadcast %ge3A : i32 to vector<1024x1xi32>
      %ge3A_97 = arith.cmpi sge, %get3A_92, %ge3A_96 : vector<1024x1xi32>
      %lt3A_98 = arith.constant 10000 : i32
      %lt3A_99 = vector.broadcast %lt3A_98 : i32 to vector<1024x1xi32>
      %lt3A_100 = arith.cmpi slt, %get3A_92, %lt3A_99 : vector<1024x1xi32>
      %and3A_101 = arith.andi %ge3A_97, %lt3A_100 : vector<1024x1xi1>
      %slice3A = vector.extract_strided_slice %add3A_62 {offsets = [0, 0], sizes = [1024, 1], strides = [1, 1]} : vector<1024x2xf32> to vector<1024x1xf32>
      %slice3A_102 = vector.extract_strided_slice %add3A_62 {offsets = [0, 1], sizes = [1024, 1], strides = [1, 1]} : vector<1024x2xf32> to vector<1024x1xf32>
      %select_n3A = arith.select %and3A_101, %slice3A, %slice3A_102 : vector<1024x1xi1>, vector<1024x1xf32>
      %mul3A_103 = arith.constant 0.693147182 : f32
      %mul3A_104 = vector.broadcast %mul3A_103 : f32 to vector<1024x1xf32>
      %mul3A_105 = arith.mulf %mul3A_104, %select_n3A : vector<1024x1xf32>
      %select_n3A_106 = arith.select %lt3A_95, %mul3A_89, %mul3A_105 : vector<1024x1xi1>, vector<1024x1xf32>
      %select_n3A_107 = arith.select %and3A_101, %log3A_79, %log3A_86 : vector<1024x1xi1>, vector<1024x1xf32>
      %sub3A = arith.subf %mul3A_89, %select_n3A_107 : vector<1024x1xf32>
      %jit3A = arith.constant 0.000000e+00 : f32
      %broadcast_in_dim3A_108 = vector.broadcast %jit3A : f32 to vector<1024x1xf32>
      %select_n3A_109 = arith.select %lt3A_95, %broadcast_in_dim3A_108, %sub3A : vector<1024x1xi1>, vector<1024x1xf32>
      %sub3A_110 = arith.subf %select_n3A_106, %log3A : vector<1024x1xf32>
      %add3A_111 = arith.addf %sub3A_110, %select_n3A_109 : vector<1024x1xf32>
      %swap3A = arith.constant 0 : index
      %swap3A_112 = arith.constant 0 : index
      %swap3A_113 = vector.load %arg9[%swap3A, %swap3A_112] : memref<1024x1xf32, #tpu.memory_space<vmem>>, vector<1024x1xf32>
      tpu.vector_store %arg9[%swap3A, %swap3A_112], %add3A_111 {strides = array<i32>} : memref<1024x1xf32, #tpu.memory_space<vmem>>, vector<1024x1xf32>,
      %broadcast_in_dim3A_114 = arith.constant 0.000000e+00 : f32
      %broadcast_in_dim3A_115 = vector.broadcast %broadcast_in_dim3A_114 : f32 to vector<1x1xf32>
      %reduce_sum3A_116 = vector.shape_cast %add3A_111 : vector<1024x1xf32> to vector<1x1024x1xf32>
      %reduce_sum3A_117 = arith.constant dense<0.000000e+00> : vector<1xf32>
      %reduce_sum3A_118 = vector.multi_reduction <add>, %reduce_sum3A_116, %reduce_sum3A_117 [1, 2] : vector<1x1024x1xf32> to vector<1xf32>
      %reduce_sum3A_119 = vector.shape_cast %reduce_sum3A_118 : vector<1xf32> to vector<1x1x1xf32>
      %reduce_sum3A_120 = vector.extract %reduce_sum3A_119[0, 0, 0] : f32 from vector<1x1x1xf32>
      %div3A = arith.constant 1.024000e+03 : f32
      %div3A_121 = arith.divf %reduce_sum3A_120, %div3A : f32
      %sub3A_122 = vector.broadcast %div3A_121 : f32 to vector<1x1xf32>
      %sub3A_123 = arith.subf %broadcast_in_dim3A_115, %sub3A_122 : vector<1x1xf32>
      %swap3A_124 = arith.constant 0 : index
      %swap3A_125 = arith.constant 0 : index
      %swap3A_126 = vector.load %arg10[%swap3A_124, %swap3A_125] : memref<1x1xf32, #tpu.memory_space<vmem>>, vector<1x1xf32>
      tpu.vector_store %arg10[%swap3A_124, %swap3A_125], %sub3A_123 {strides = array<i32>} : memref<1x1xf32, #tpu.memory_space<vmem>>, vector<1x1xf32>,
    } else {
    }
    return
  }
  func.func @transform_0(%arg0: i32) -> (i32, i32) {
    %c0_i32 = arith.constant 0 : i32
    %c0_i32_0 = arith.constant 0 : i32
    %c0_i32_1 = arith.constant 0 : i32
    return %c0_i32, %c0_i32_0 : i32, i32
  }
  func.func @transform_1(%arg0: i32) -> (i32, i32) {
    %c0_i32 = arith.constant 0 : i32
    %c0_i32_0 = arith.constant 0 : i32
    return %arg0, %c0_i32 : i32, i32
  }
  func.func @transform_2(%arg0: i32) -> (i32, i32, i32) {
    %c0_i32 = arith.constant 0 : i32
    %c0_i32_0 = arith.constant 0 : i32
    %c0_i32_1 = arith.constant 0 : i32
    return %arg0, %c0_i32, %c0_i32_0 : i32, i32, i32
  }
  func.func @transform_3(%arg0: i32) -> (i32, i32) {
    %c0_i32 = arith.constant 0 : i32
    %c0_i32_0 = arith.constant 0 : i32
    %c0_i32_1 = arith.constant 0 : i32
    return %c0_i32, %c0_i32_0 : i32, i32
  }
  func.func @transform_4(%arg0: i32) -> (i32, i32) {
    %c0_i32 = arith.constant 0 : i32
    %c0_i32_0 = arith.constant 0 : i32
    %c0_i32_1 = arith.constant 0 : i32
    return %c0_i32, %c0_i32_0 : i32, i32
  }
  func.func @transform_5(%arg0: i32) -> (i32, i32) {
    %c0_i32 = arith.constant 0 : i32
    %c0_i32_0 = arith.constant 0 : i32
    %c0_i32_1 = arith.constant 0 : i32
    return %c0_i32, %c0_i32_0 : i32, i32
  }
  func.func @transform_6(%arg0: i32) -> (i32, i32) {
    %c0_i32 = arith.constant 0 : i32
    %c0_i32_0 = arith.constant 0 : i32
    %c0_i32_1 = arith.constant 0 : i32
    return %c0_i32, %c0_i32_0 : i32, i32
  }
  func.func @transform_7(%arg0: i32) -> (i32, i32) {
    %c0_i32 = arith.constant 0 : i32
    %c0_i32_0 = arith.constant 0 : i32
    %c0_i32_1 = arith.constant 0 : i32
    return %c0_i32, %c0_i32_0 : i32, i32
  }
  func.func @transform_8(%arg0: i32) -> (i32, i32) {
    %c0_i32 = arith.constant 0 : i32
    %c0_i32_0 = arith.constant 0 : i32
    %c0_i32_1 = arith.constant 0 : i32
    return %c0_i32, %c0_i32_0 : i32, i32
  }
  func.func @transform_9(%arg0: i32) -> (i32, i32) {
    %c0_i32 = arith.constant 0 : i32
    %c0_i32_0 = arith.constant 0 : i32
    %c0_i32_1 = arith.constant 0 : i32
    return %c0_i32, %c0_i32_0 : i32, i32
  }
}

</mosaic_0001>

<sc_bundles>
// kernel: kernel.4.cloned.1.call-start
scs
__scs_entry_jumppad:
0x0: {  	(pc) =	sbr.rel $0x88, $3  }
0x1: {  	(tag) =	ssettag $0x0;
	lr =	simm.s32 $0x1  }
0x2: {  	[smem:$0x3F9B] =	sst lr;
	_ =	strace $0xD0000000  }
0x3: {  	_ = 	snop  }
0x4: {  	_ = 	snop  }
0x5: {  	_ = 	snop  }
0x6: {  	_ = 	snop  }
0x7: {  	_ = 	snop  }
__scs_overlays_trampoline_lowered:
0x8: {  	[smem:$0x3FAA] =	sst s0  }
0x9: {  	[smem:$0x3FAB] =	sst s1  }
0xa: {  	[smem:$0x3FAC] =	sst s2  }
0xb: {  	[smem:$0x3FAD] =	sst s3  }
0xc: {  	[smem:$0x3FAE] =	sst s4  }
0xd: {  	[smem:$0x3FAF] =	sst s5  }
0xe: {  	[smem:$0x3FB0] =	sst s6  }
0xf: {  	[smem:$0x3FB1] =	sst s7  }
0x10: {  	[smem:$0x3FB2] =	sst s8  }
0x11: {  	[smem:$0x3FB3] =	sst s9;
	s0 =	simm.s32 @!p0 $0x0  }
0x12: {  	s1 =	sld [smem:$0x3F99];
	s0 =	simm.s32 @p0 $0x1  }
0x13: {  	[smem:$0x3FB4] =	sst s0;
	s0 =	simm.s32 @!p1 $0x0  }
0x14: {  	s2 =	sld [smem:$0x3F98];
	s0 =	simm.s32 @p1 $0x1  }
0x15: {  	[smem:$0x3FB5] =	sst s0;
	s0 =	simm.s32 @!p2 $0x0  }
0x16: {  	s3 =	sld [smem:$0x3FDB];
	s0 =	simm.s32 @p2 $0x1  }
0x17: {  	s4 =	simm.s32 $0x1BF5;
	[smem:$0x3FB7] =	sst s0  }
0x18: {  	s0 =	sld [smem:$0x3F9A];
	_ =	swait.ge [sflag:s4], $0x0  }
0x19: {  	s7 =	sld [smem:$0x3F9B]  }
0x1a: {  	s8 =	sadd.s32 $0xFFFFE003, lr  }
0x1b: {  	s9 =	sadd.s32 $0xFFFFFEF7, lr;
	s5 =	simm.s32 $0xFFFFFFFF;
	p2 =	slt.u32 s8, $0xFFFFF086  }
0x1c: {  	p1 =	slt.u32 s9, $0xF7A;
	s5 =	simm.s32 @!p2 $0x0  }
0x1d: {  	s5 =	simm.s32 @p1 $0x1;
	p0 =	seq.s32 s7, s2  }
0x1e: {  	s7 =	smul.u32 @!p0 $0xF7A, s2;
	p2 =	seq.s32 @!p0 s5, $0x0  }
0x1f: {  	s9 =	smul.u32 $0xF7A, s1;
	s8 =	simm.s32 @!p0 $0x1BF5;
	p2 =	por !p2, p0  }
0x20: {  	[sflag:s8] =	ssyncset.s32 @!p0 $0xFFFFF086;
	s6 =	sadd.s32 @!p0 s3, s7;
	s7 =	simm.s32 @!p0 $0x108  }
0x21: {  	s3 =	sadd.s32 s3, s9;
	s6 =	sadd.s32 @!p0 $0x88, s6;
	s7 =	simm.s32 @p2 $0x1082  }
0x22: {  	[simem:s7], [sflag:s8] =	dma.local @!p0 [hbm:s6], $0xF7A  }
0x23: {  	s9 =	sor.u32 $0xD0000000, s2;
	s6 =	simm.s32 $0x108;
	_ =	swait.ge @!p0 [sflag:s8], $0x0  }
0x24: {  	s3 =	sadd.s32 $0x88, s3;
	s6 =	simm.s32 @!p1 $0x1082;
	[sflag:s4] =	ssyncset.s32 $0xFFFFF086  }
0x25: {  	[simem:s6], [sflag:s4] =	dma.local [hbm:s3], $0xF7A  }
0x26: {  	[smem:$0x3F9B] =	sst s1;
	(tag) =	ssettag s2;
	_ =	strace s9  }
0x27: {  	s1 =	sld [smem:$0x3FAB]  }
0x28: {  	s2 =	sld [smem:$0x3FAC]  }
0x29: {  	s4 =	sld [smem:$0x3FAE]  }
0x2a: {  	p0 =	seq.s32 s5, $0x0;
	s5 =	sld [smem:$0x3FAF]  }
0x2b: {  	s6 =	sld [smem:$0x3FB0]  }
0x2c: {  	s7 =	sld [smem:$0x3FB1]  }
0x2d: {  	s3 =	simm.s32 $0x108;
	s8 =	sld [smem:$0x3FB2]  }
0x2e: {  	s3 =	simm.s32 @!p0 $0x1082;
	s9 =	sld [smem:$0x3FB3]  }
0x2f: {  	lr =	sadd.s32 s0, s3;
	s0 =	sld [smem:$0x3FAA]  }
0x30: {  	s3 =	sld [smem:$0x3FAD]  }
0x31: {  	[smem:$0x3FB6] =	sst s10  }
0x32: {  	s10 =	sld [smem:$0x3FB4];
	_ =	sdelay $0x3  }
0x33: {  	p0 =	seq.s32 s10, $0x1;
	s10 =	sld [smem:$0x3FB6];
	_ =	sdelay $0x3  }
0x34: {  	[smem:$0x3FB6] =	sst s10  }
0x35: {  	s10 =	sld [smem:$0x3FB5];
	_ =	sdelay $0x3  }
0x36: {  	p1 =	seq.s32 s10, $0x1;
	s10 =	sld [smem:$0x3FB6];
	_ =	sdelay $0x3  }
0x37: {  	[smem:$0x3FB6] =	sst s10  }
0x38: {  	s10 =	sld [smem:$0x3FB7]  }
0x39: {  	_ = 	snop;
	(pc) =	sbr.ind lr, $3  }
0x3a: {  	_ = 	snop  }
0x3b: {  	_ = 	snop  }
0x3c: {  	p2 =	seq.s32 s10, $0x1;
	s10 =	sld [smem:$0x3FB6]  }
0x3d: {  	_ =	shalt  }
0x3e: {  	_ =	shalt  }
0x3f: {  	_ =	shalt  }
0x40: {  	_ =	shalt  }
0x41: {  	_ =	shalt  }
0x42: {  	_ =	shalt  }
0x43: {  	_ =	shalt  }
0x44: {  	_ =	shalt  }
0x45: {  	_ =	shalt  }
0x46: {  	_ =	shalt  }
0x47: {  	_ =	shalt  }
0x48: {  	_ =	shalt  }
0x49: {  	_ =	shalt  }
0x4a: {  	_ =	shalt  }
0x4b: {  	_ =	shalt  }
0x4c: {  	_ =	shalt  }
0x4d: {  	_ =	shalt  }
0x4e: {  	_ =	shalt  }
0x4f: {  	_ =	shalt  }
0x50: {  	_ =	shalt  }
0x51: {  	_ =	shalt  }
0x52: {  	_ =	shalt  }
0x53: {  	_ =	shalt  }
0x54: {  	_ =	shalt  }
0x55: {  	_ =	shalt  }
0x56: {  	_ =	shalt  }
0x57: {  	_ =	shalt  }
0x58: {  	_ =	shalt  }
0x59: {  	_ =	shalt  }
0x5a: {  	_ =	shalt  }
0x5b: {  	_ =	shalt  }
0x5c: {  	_ =	shalt  }
0x5d: {  	_ =	shalt  }
0x5e: {  	_ =	shalt  }
0x5f: {  	_ =	shalt  }
0x60: {  	_ =	shalt  }
0x61: {  	_ =	shalt  }
0x62: {  	_ =	shalt  }
0x63: {  	_ =	shalt  }
0x64: {  	_ =	shalt  }
0x65: {  	_ =	shalt  }
0x66: {  	_ =	shalt  }
0x67: {  	_ =	shalt  }
0x68: {  	_ =	shalt  }
0x69: {  	_ =	shalt  }
0x6a: {  	_ =	shalt  }
0x6b: {  	_ =	shalt  }
0x6c: {  	_ =	shalt  }
0x6d: {  	_ =	shalt  }
0x6e: {  	_ =	shalt  }
0x6f: {  	_ =	shalt  }
0x70: {  	_ =	shalt  }
0x71: {  	_ =	shalt  }
0x72: {  	_ =	shalt  }
0x73: {  	_ =	shalt  }
0x74: {  	_ =	shalt  }
0x75: {  	_ =	shalt  }
0x76: {  	_ =	shalt  }
0x77: {  	_ =	shalt  }
0x78: {  	_ =	shalt  }
0x79: {  	_ =	shalt  }
0x7a: {  	_ =	shalt  }
0x7b: {  	_ =	shalt  }
0x7c: {  	_ =	shalt  }
0x7d: {  	_ =	shalt  }
0x7e: {  	_ =	shalt  }
0x7f: {  	_ =	shalt  }
0x80: {  	_ =	shalt  }
0x81: {  	_ =	shalt  }
0x82: {  	_ =	shalt  }
0x83: {  	_ =	shalt  }
0x84: {  	_ =	shalt  }
0x85: {  	_ =	shalt  }
0x86: {  	_ =	shalt  }
0x87: {  	_ =	shalt  }
.Lfunc_end0:
.L_simem_size_0:
called_computation_lowered:
.L_overlay_start_0:
0x88: {  	s2 =	sld [smem:$0x3FD9]  }
0x89: {  	s3 =	sld [smem:$0x3FFE];
	_ =	sdelay $0x1  }
0x8a: {  	s1 =	srdreg.scid  }
0x8b: {  	s0 =	sand.u32 $0x1, s1  }
0x8c: {  	s17 =	sshll.u32 s0, $0xA;
	s2 =	sadd.s32 s3, s2  }
0x8d: {  	s2 =	sadd.s32 s2, s17  }
0x8e: {  	[smem:$0x3FC2] =	sst s2  }
0x8f: {  	_ = 	snop  }
0x90: {  	s2 =	sld [smem:$0x3FC8]  }
0x91: {  	s18 =	sld [smem:$0x3FC7];
	(tm) =	ssettm $0x1  }
0x92: {  	s4 =	sld [smem:$0x3FFB];
	_ =	sdelay $0x3  }
0x93: {  	_ =	strace s4  }
0x94: {  	s4 =	sld [smem:$0x3FFC];
	_ =	sdelay $0x3  }
0x95: {  	_ =	strace s4  }
0x96: {  	s4 =	sld [smem:$0x3FFD];
	_ =	sdelay $0x3  }
0x97: {  	_ =	strace s4  }
0x98: {  	_ =	strace $0x8FFFFFFF  }
0x99: {  	s19 =	sld [smem:$0x3FDB];
	_ =	sdelay $0x1  }
0x9a: {  	s5 =	simm.s32 $_scs_section_size  }
0x9b: {  	s6 =	simm.s32 $_size__tile_overlayer_lowered;
	s7 =	simm.s32 $_tile_overlayer_lowered  }
0x9c: {  	s22 =	simm.s32 $0x1BFF;
	s21 =	sshll.u32 s7, $0x1;
	s4 =	sadd.s32 s5, s19  }
0x9d: {  	s8 =	simm.s32 $0x0;
	s20 =	sshll.u32 s6, $0x1;
	s6 =	sadd.s32 s21, s4  }
0x9e: {  	[timem:s8], [sflag:s22] =	dma.local [hbm:s6], s20  }
0x9f: {  	_ =	swait.ge [sflag:s22], s20  }
0xa0: {  	s5 =	ssub.s32 $0x0, s20;
	[sflag:s22] =	ssyncset.done $0x0  }
0xa1: {  	[sflag:s22] =	ssyncadd.s32 s5;
	_ =	sdelay $0x1  }
0xa2: {  	s23 =	simm.s32 $0x1B8B  }
0xa3: {  	_ =	swait.ge [sflag:s23], $0x1  }
0xa4: {  	[sflag:s23] =	ssyncset.done $0x0  }
0xa5: {  	s25 =	simm.s32 $0x1B8E;
	s24 =	sld [smem:$0x3FFE];
	[sflag:s23] =	ssyncadd.s32 $0xFFFFFFFF  }
0xa6: {  	s26 =	simm.s32 $execute0_lowered;
	[smem:$0x3FD2] =	sst s25  }
0xa7: {  	s6 =	sshll.u32 s26, $0x1;
	_ =	strace $0x80000046;
	[dreg:$0x1] =	wrdreg $0xFFFFFFFF  }
0xa8: {  	s28 =	simm.s32 $_size_execute0_lowered;
	s4 =	sadd.s32 s4, s6;
	[dreg:$0x0] =	wrdreg $0x0  }
0xa9: {  	s6 =	sshll.u32 s28, $0x1;
	[dreg:$0x2] =	wrdreg s4  }
0xaa: {  	[dreg:$0x3] =	wrdreg s6  }
0xab: {  	[dreg:$0x4] =	wrdreg $0xC0  }
0xac: {  	_ =	task [dreg:s8], $0x5FFFF  }
0xad: {  	[dreg:$0x1] =	wrdreg $0xFFFFFFFF  }
0xae: {  	[dreg:$0x0] =	wrdreg $0x60  }
0xaf: {  	[dreg:$0x2] =	wrdreg s18  }
0xb0: {  	[dreg:$0x3] =	wrdreg s2  }
0xb1: {  	[dreg:$0x4] =	wrdreg s24  }
0xb2: {  	[dreg:$0x5] =	wrdreg $0x9  }
0xb3: {  	_ =	task.clear_ibuf [dreg:s8], $0x6FFFF;
	_ =	strace $0x90000046  }
0xb4: {  	s29 =	simm.s32 $0x9;
	_ =	strace $0x80000048  }
0xb5: {  	_ =	swait.ge [sflag:s29], $0x1  }
0xb6: {  	[sflag:s29] =	ssyncadd.s32 $0xFFFFFFFF  }
0xb7: {  	_ =	strace $0x90000048  }
0xb8: {  	_ =	sfence  }
0xb9: {  	s30 =	sld [smem:$0x0];
	_ =	sdelay $0x2  }
0xba: {  	s31 =	sshll.u32 s1, $0xD;
	s1 =	sshrl.u32 s1, $0x2  }
0xbb: {  	s3 =	sand.u32 $0x4000, s31;
	s1 =	sadd.s32 s1, s30  }
0xbc: {  	s0 =	sor.u32 s3, s0;
	s1 =	sshll.u32 s1, $0x11  }
0xbd: {  	s0 =	sor.u32 s1, s0  }
0xbe: {  	s0 =	sadd.s32 $0x8F2B, s0  }
0xbf: {  	[sflag:s0] =	ssyncadd.remote.s32 $0x1  }
0xc0: {  	_ =	sfence.sel $0xFFFF  }
0xc1: {  	[dreg:$0x0] =	wrdreg $0xFFFFFFFF;
	(pc) =	sbr.abs _section_cstart, $3  }
0xc2: {  	[dreg:$0x1] =	wrdreg $0xFFFFFFFF  }
0xc3: {  	_ =	task.clear_ibuf [dreg:s8], $0x2FFFF;
	_ =	strace $0x9FFFFFFF  }
0xc4: {  	(tm) =	ssettm $0x7FFFFFFF  }
0xc5: {  	_ =	shalt  }
tec
execute0_lowered:
.L_overlay_start_1:
0x0: {  	(tag) =	ssettag $0x1  }
0x1: {  	s1 =	rddreg [dreg:$0x0]  }
0x2: {  	s4 =	rddreg [dreg:$0x1]  }
0x3: {  	s5 =	rddreg [dreg:$0x2];
	s3 =	srdreg.scid  }
0x4: {  	s0 =	rddreg [dreg:$0x3];
	s2 =	stileid.u32;
	s10 =	simm.s32 $0x2  }
0x5: {  	s11 =	simm.s32 $0x80;
	s12 =	simm.s32 $0x880;
	s13 =	simm.s32 $0x1080  }
0x6: {  	s14 =	simm.s32 $0x1880;
	s15 =	simm.s32 $0x2080;
	s16 =	simm.s32 $0x2880  }
0x7: {  	s17 =	simm.s32 $0x3080;
	s18 =	simm.s32 $0x3880;
	s19 =	simm.s32 $0x4080  }
0x8: {  	s20 =	simm.s32 $0x4880;
	s21 =	simm.s32 $0x5080;
	s22 =	simm.s32 $0x5880  }
0x9: {  	s23 =	simm.s32 $0x6080;
	s24 =	simm.s32 $0x6880;
	s25 =	simm.s32 $0x7080  }
0xa: {  	s26 =	simm.s32 $0x7880;
	s28 =	simm.s32 $0x1;
	s6 =	sand.u32 $0x1, s3  }
0xb: {  	s3 =	simm.s32 $0x0;
	s7 =	sshll.u32 s2, $0x6;
	s8 =	sshll.u32 s6, $0x5  }
0xc: {  	[smem:$0x7FF] =	sst s3;
	s6 =	ssub.s32 $0x2, s6;
	s7 =	sor.u32 s8, s7  }
0xd: {  	_ =	strace $0x80000047;
	s9 =	sshrl.u32 s6, $0x1;
	s8 =	sshll.u32 s7, $0x7  }
0xe: {  	v2 =	vlaneseq.u32;
	s9 =	ssub.s32 s6, s9;
	s31 =	sshrl.u32 s7, $0x3;
	s6 =	sadd.s32 $0x200, s1  }
0xf: {  	vm0 =	vmmov $0xffff;
	v1 =	vshrl.u32 v2, $0x3;
	s7 =	sadd.s32 $0x300, s1;
	s8 =	sadd.s32 s8, s5;
	s4 =	sadd.s32 s4, s31  }
0x10: {  	v0 =	vand.u32 $0x7, v2;
	v2 =	vor.u32 $0x8, v2;
	v1 =	vmul.u32 $0x8, v1;
	s5 =	sadd.s32 $0x100, s1;
	s9 =	smax.u32 s9, $0x1;
	s8 =	sadd.s32 $0xE00, s8  }
.LBB2_1:
0x11: {  	[tilespmem:s3], [sflag:$0x2] =	stream.linear.gather [hbm4b:s4+s3], $0x20, $0x38;
	[tilespmem:$0x8080] =	vst v63  }
0x12: {  	_ =	swait.ge [sflag:s10], $0x20  }
0x13: {  	[sflag:s10] =	ssyncset.done $0x0  }
0x14: {  	[sflag:s10] =	ssyncadd.s32 $0xFFFFFFE0  }
0x15: {  	v3 =	vld [tilespmem:$0x0];
	_ =	sdelay $0x4  }
0x16: {  	v4 =	vshll.u32 v3, $0x3  }
0x17: {  	v3 =	vand.u32 $0x7, v3;
	v4 =	vand.u32 $0xFFFFFFC0, v4  }
0x18: {  	v3 =	vor.u32 v3, v4  }
0x19: {  	v4 =	vperm.xlane v3, v0;
	_ =	sdelay $0x1  }
0x1a: {  	v4 =	vadd.s32 v1, v4;
	_ =	sdelay $0x4  }
0x1b: {  	[tilespmem:s11], [sflag:$0x1] =	stream.indirect_vreg.gather [hbm4b:s1+s3], $0x80, v4, vm0, $0xb8;
	[tilespmem:$0x8080] =	vst v63  }
0x1c: {  	v3 =	vperm.xlane v3, v2  }
0x1d: {  	[tilespmem:s12], [sflag:$0x1] =	stream.indirect_vreg.gather [hbm4b:s5+s3], $0x80, v4, vm0, $0xb8;
	[tilespmem:$0x8080] =	vst v63  }
0x1e: {  	v3 =	vadd.s32 v1, v3  }
0x1f: {  	[tilespmem:s13], [sflag:$0x1] =	stream.indirect_vreg.gather [hbm4b:s6+s3], $0x80, v4, vm0, $0xb8;
	[tilespmem:$0x8080] =	vst v63  }
0x20: {  	_ = 	snop  }
0x21: {  	[tilespmem:s14], [sflag:$0x1] =	stream.indirect_vreg.gather [hbm4b:s7+s3], $0x80, v4, vm0, $0xb8;
	[tilespmem:$0x8080] =	vst v63  }
0x22: {  	_ = 	snop  }
0x23: {  	[tilespmem:s15], [sflag:$0x1] =	stream.indirect_vreg.gather [hbm4b:s1+s3], $0x80, v3, vm0, $0xb8;
	[tilespmem:$0x8080] =	vst v63  }
0x24: {  	_ = 	snop  }
0x25: {  	[tilespmem:s16], [sflag:$0x1] =	stream.indirect_vreg.gather [hbm4b:s5+s3], $0x80, v3, vm0, $0xb8;
	[tilespmem:$0x8080] =	vst v63  }
0x26: {  	_ = 	snop  }
0x27: {  	[tilespmem:s17], [sflag:$0x1] =	stream.indirect_vreg.gather [hbm4b:s6+s3], $0x80, v3, vm0, $0xb8;
	[tilespmem:$0x8080] =	vst v63  }
0x28: {  	_ = 	snop  }
0x29: {  	[tilespmem:s18], [sflag:$0x1] =	stream.indirect_vreg.gather [hbm4b:s7+s3], $0x80, v3, vm0, $0xb8;
	[tilespmem:$0x8080] =	vst v63  }
0x2a: {  	v3 =	vld [tilespmem:$0x10];
	_ =	sdelay $0x4  }
0x2b: {  	v63 =	vshll.u32 v3, $0x3  }
0x2c: {  	v3 =	vand.u32 $0x7, v3;
	v4 =	vand.u32 $0xFFFFFFC0, v63  }
0x2d: {  	v3 =	vor.u32 v3, v4  }
0x2e: {  	v4 =	vperm.xlane v3, v0;
	_ =	sdelay $0x1  }
0x2f: {  	v4 =	vadd.s32 v1, v4;
	_ =	sdelay $0x4  }
0x30: {  	[tilespmem:s19], [sflag:$0x1] =	stream.indirect_vreg.gather [hbm4b:s1+s3], $0x80, v4, vm0, $0xb8;
	[tilespmem:$0x8080] =	vst v63  }
0x31: {  	v3 =	vperm.xlane v3, v2  }
0x32: {  	[tilespmem:s20], [sflag:$0x1] =	stream.indirect_vreg.gather [hbm4b:s5+s3], $0x80, v4, vm0, $0xb8;
	[tilespmem:$0x8080] =	vst v63  }
0x33: {  	v3 =	vadd.s32 v1, v3  }
0x34: {  	[tilespmem:s21], [sflag:$0x1] =	stream.indirect_vreg.gather [hbm4b:s6+s3], $0x80, v4, vm0, $0xb8;
	[tilespmem:$0x8080] =	vst v63  }
0x35: {  	_ = 	snop  }
0x36: {  	[tilespmem:s22], [sflag:$0x1] =	stream.indirect_vreg.gather [hbm4b:s7+s3], $0x80, v4, vm0, $0xb8;
	[tilespmem:$0x8080] =	vst v63  }
0x37: {  	_ = 	snop  }
0x38: {  	[tilespmem:s23], [sflag:$0x1] =	stream.indirect_vreg.gather [hbm4b:s1+s3], $0x80, v3, vm0, $0xb8;
	[tilespmem:$0x8080] =	vst v63  }
0x39: {  	_ = 	snop  }
0x3a: {  	[tilespmem:s24], [sflag:$0x1] =	stream.indirect_vreg.gather [hbm4b:s5+s3], $0x80, v3, vm0, $0xb8;
	[tilespmem:$0x8080] =	vst v63  }
0x3b: {  	_ = 	snop  }
0x3c: {  	[tilespmem:s25], [sflag:$0x1] =	stream.indirect_vreg.gather [hbm4b:s6+s3], $0x80, v3, vm0, $0xb8;
	[tilespmem:$0x8080] =	vst v63  }
0x3d: {  	_ = 	snop  }
0x3e: {  	[tilespmem:s26], [sflag:$0x1] =	stream.indirect_vreg.gather [hbm4b:s7+s3], $0x80, v3, vm0, $0xb8;
	[tilespmem:$0x8080] =	vst v63  }
0x3f: {  	_ =	swait.ge [sflag:s28], $0x8000  }
0x40: {  	p0 =	sne.s32 s9, $0x1;
	[sflag:s28] =	ssyncset.done $0x0  }
.Ltmp0:
0x41: {  	[sflag:s28] =	ssyncadd.s32 $0xFFFF8000;
	(pc) =	sbr.rel @p0 .LBB2_1-.Ltmp0, $4  }
0x42: {  	[hbm4b:s8+s3] =	stream.linear.scatter [tilespmem:s11], [sflag:$0x2], $0x8000, $0x38;
	[tilespmem:$0x8080] =	vst v63  }
0x43: {  	_ =	swait.ge [sflag:s10], $0x8000  }
0x44: {  	[sflag:s10] =	ssyncset.done $0x0  }
0x45: {  	s9 =	sadd.s32 $0xFFFFFFFF, s9;
	[sflag:s10] =	ssyncadd.s32 $0xFFFF8000  }
0x46: {  	_ =	sfence.sel $0x180000  }
0x47: {  	[bflag:$0x0] =	sbarrier.arrive $0xFFFF  }
0x48: {  	p0 =	sne.s32 s2, $0x0;
	_ =	strace $0x90000047  }
0x49: {  	s0 =	sadd.s32 @!p0 $0x100000, s0;
	[bflag:$0x2] =	sbarrier.arrive $0xFFFF  }
0x4a: {  	[sflag:s0] =	ssyncadd.tile.s32 @!p0 $0x1;
	_ =	shalt  }
.Lfunc_end2:
_tile_overlayer_lowered:
.L_overlay_start_2:
0x4b: {  	(tag) =	ssettag $0x2  }
0x4c: {  	s0 =	rddreg [dreg:$0x0];
	s2 =	stileid.u32  }
0x4d: {  	s1 =	rddreg [dreg:$0x1];
	p0 =	sne.s32 s2, $0x0  }
0x4e: {  	s3 =	rddreg [dreg:$0x2];
	[bflag:$0x3] =	sbarrier.arrive $0xFFFF;
	s2 =	simm.s32 @!p0 $0x1C02  }
0x4f: {  	[timem:s3], [sflag:s2] =	dma.local @!p0 [hbm:s0], s1  }
0x50: {  	s0 =	simm.s32 @!p0 $0x2  }
0x51: {  	_ =	swait.ge @!p0 [sflag:s0], s1  }
0x52: {  	s1 =	ssub.s32 @!p0 $0x0, s1;
	[sflag:s0] =	ssyncset.done @!p0 $0x0  }
0x53: {  	[sflag:s0] =	ssyncadd.s32 @!p0 s1  }
0x54: {  	[bflag:$0x3] =	sbarrier.arrive $0xFFFF  }
0x55: {  	_ =	shalt  }

</sc_bundles>
